<compile_context>
chip_gen: v7x
topology: tpu7x:2x2x1
jax: 0.10.2.dev20260603
libtpu: 0.0.44.dev20260713+nightly
codegen_flags: <defaults>
</compile_context>

<pallas_src>
import math

import jax
import jax.numpy as jnp
from jax import lax
from jax.experimental import pallas as pl
from jax.experimental.pallas import tpu as pltpu
from jax.experimental.pallas import tpu_sc as plsc

N_VOCAB = 100000
N_DIM = 64
SIGMA = 1.0
B = 16384
CS = 20
NS = 20
NR = NS + 1

NC = 2
NSUB = 16
NW = NC * NSUB
BPW = B // NW
NB = 32
NBLK = BPW // NB
PW = NR * 16



def _logits_sc_body(wixs, cixs, wtab, ctab, out, widx_v, cidx_v,
                    wrows_v, crows_v, out_v, sem_w, sem_c):
    wid = lax.axis_index("s") * NC + lax.axis_index("c")

    def block(blk, carry):
        base = wid * BPW + blk * NB
        pltpu.sync_copy(wixs.at[pl.ds(base * NR, NB * NR)], widx_v)
        pltpu.sync_copy(cixs.at[pl.ds(base * CS, NB * CS)], cidx_v)
        cw = pltpu.async_copy(wtab.at[widx_v], wrows_v, sem_w)
        cc = pltpu.async_copy(ctab.at[cidx_v], crows_v, sem_c)
        cw.wait()
        cc.wait()

        def elem(i, c2):
            cacc = [crows_v[i * CS, pl.ds(16 * k, 16)] for k in range(4)]
            for j in range(1, CS):
                for k in range(4):
                    cacc[k] = cacc[k] + crows_v[i * CS + j, pl.ds(16 * k, 16)]
            for r in range(NR):
                p = wrows_v[i * NR + r, pl.ds(0, 16)] * cacc[0]
                for k in range(1, 4):
                    p = p + wrows_v[i * NR + r, pl.ds(16 * k, 16)] * cacc[k]
                out_v[i, pl.ds(16 * r, 16)] = p
            return c2

        lax.fori_loop(0, NB, elem, 0)
        pltpu.sync_copy(out_v, out.at[pl.ds(base, NB)])
        return carry

    lax.fori_loop(0, NBLK, block, 0)


_logits_sc = pl.kernel(
    _logits_sc_body,
    mesh=plsc.VectorSubcoreMesh(core_axis_name="c", subcore_axis_name="s"),
    compiler_params=pltpu.CompilerParams(use_tc_tiling_on_sc=False),
    out_type=jax.ShapeDtypeStruct((B, PW), jnp.float32),
    scratch_types=[
        pltpu.VMEM((NB * NR,), jnp.int32),
        pltpu.VMEM((NB * CS,), jnp.int32),
        pltpu.VMEM((NB * NR, N_DIM), jnp.float32),
        pltpu.VMEM((NB * CS, N_DIM), jnp.float32),
        pltpu.VMEM((NB, PW), jnp.float32),
        pltpu.SemaphoreType.DMA,
        pltpu.SemaphoreType.DMA,
    ],
)


ROWS_BLK = 2000
GRID = N_VOCAB // ROWS_BLK
LG_BLK = 328
_PRIOR_CONST = float(N_VOCAB * N_DIM) * (
    -1.5 * math.log(2.0 * math.pi) - math.log(SIGMA) - math.log(SIGMA)
    - math.log(SIGMA / 100.0))
_INV2S2_3 = 0.5 * (100.0 / SIGMA) ** 2


def _loss_tc_body(w_ref, c_ref, r_ref, lg_ref, out_ref, acc_ref):
    step = pl.program_id(0)

    @pl.when(step == 0)
    def _init():
        acc_ref[...] = jnp.zeros((8, 128), jnp.float32)

    w = w_ref[...]
    c = c_ref[...]
    d = w - r_ref[...]
    part = (-0.5 / (SIGMA * SIGMA)) * (w * w + c * c) - _INV2S2_3 * (d * d)
    acc_ref[0:1, 0:N_DIM] += jnp.sum(part, axis=0, keepdims=True)

    x = lg_ref[...]
    gsel = (lax.broadcasted_iota(jnp.int32, (PW, NR), 0) // 16
            == lax.broadcasted_iota(jnp.int32, (PW, NR), 1)
            ).astype(jnp.float32)
    lg = lax.dot(x, gsel, precision=lax.Precision.HIGHEST)
    col = lax.broadcasted_iota(jnp.int32, (LG_BLK, NR), 1)
    y = jnp.where(col == 0, -lg, lg)
    sp = jnp.maximum(y, 0.0) + jnp.log1p(jnp.exp(-jnp.abs(y)))
    rowi = lax.broadcasted_iota(jnp.int32, (LG_BLK, NR), 0)
    nvalid = jnp.where(step == GRID - 1, B - (GRID - 1) * LG_BLK, LG_BLK)
    contrib = jnp.where(rowi < nvalid, -sp, 0.0)
    acc_ref[1:2, 0:NR] += jnp.sum(contrib, axis=0, keepdims=True)

    @pl.when(step == GRID - 1)
    def _fin():
        out_ref[0, 0] = jnp.sum(acc_ref[...]) + _PRIOR_CONST


def _loss_tc(word_embeds, context_embeds, rho_state0, partials):
    return pl.pallas_call(
        _loss_tc_body,
        grid=(GRID,),
        in_specs=[
            pl.BlockSpec((ROWS_BLK, N_DIM), lambda i: (i, 0)),
            pl.BlockSpec((ROWS_BLK, N_DIM), lambda i: (i, 0)),
            pl.BlockSpec((ROWS_BLK, N_DIM), lambda i: (i, 0)),
            pl.BlockSpec((LG_BLK, PW), lambda i: (i, 0)),
        ],
        out_specs=pl.BlockSpec(memory_space=pltpu.SMEM),
        out_shape=jax.ShapeDtypeStruct((1, 1), jnp.float32),
        scratch_shapes=[pltpu.VMEM((8, 128), jnp.float32)],
    )(word_embeds, context_embeds, rho_state0, partials)


def kernel(target_ixs, context_ixs, negative_sample_ixs, word_embeds,
           context_embeds, rho_state0):
    wixs = jnp.concatenate(
        [target_ixs[:, None], negative_sample_ixs], axis=1).reshape(-1)
    cixs = context_ixs.reshape(-1)
    partials = _logits_sc(wixs, cixs, word_embeds, context_embeds)
    loss = _loss_tc(word_embeds, context_embeds, rho_state0, partials)
    return loss[0, 0]

# --- scband reference (transcript-rebuilt; emitter-appended) ---
"""Pipeline reference for scband-hierarchical-bernoulli-embeddings-19696720019792 (READ-ONLY COPY).

The authoritative reference and input builder live on the scoring server;
editing this copy changes nothing except your own understanding.
"""

import jax, jax.numpy as jnp
import numpy as np

N_VOCAB = 100000
N_DIM = 64
SIGMA = 1.0
BATCH = 16384
CS = 20
NS = 20


def setup_inputs(seed: int = 0) -> dict:
    key = jax.random.key(seed)
    ks = jax.random.split(key, 5)
    target_ixs = jax.random.randint(ks[0], (BATCH,), 0, N_VOCAB)
    context_ixs = jax.random.randint(ks[1], (BATCH, CS), 0, N_VOCAB)
    negative_sample_ixs = jax.random.randint(ks[2], (BATCH, NS), 0, N_VOCAB)
    # Global embeddings initialized ~ N(0,1) scaled by sigma (as in init_embeddings)
    word_embeds = jax.random.normal(ks[3], (N_VOCAB, N_DIM), dtype=jnp.float32) * SIGMA
    context_embeds = jax.random.normal(ks[4], (N_VOCAB, N_DIM), dtype=jnp.float32) * SIGMA
    # State-specific embedding initialized from parent word embeddings, scaled by 1e-4
    rho_state0 = word_embeds * 0.0001
    return {
        "target_ixs": target_ixs,
        "context_ixs": context_ixs,
        "negative_sample_ixs": negative_sample_ixs,
        "word_embeds": word_embeds,
        "context_embeds": context_embeds,
        "rho_state0": rho_state0,
    }


def _normal_logprob(x, scale):
    return -0.5 * (x / scale) ** 2 - jnp.log(scale) - 0.5 * jnp.log(2.0 * jnp.pi)


def reference(target_ixs, context_ixs, negative_sample_ixs, word_embeds, context_embeds, rho_state0):
    # ---- forward (single state) ----
    targets = jnp.take(word_embeds, target_ixs, axis=0)                 # [B, d]
    contexts = jnp.take(context_embeds, context_ixs, axis=0).sum(axis=1)  # [B, d]
    negs = jnp.take(word_embeds, negative_sample_ixs, axis=0)           # [B, ns, d]
    positive_logits = jnp.sum(targets * contexts, axis=-1)              # [B]
    negative_logits = jnp.sum(negs * contexts[:, None, :], axis=-1)     # [B, ns]

    # ---- loss ----
    loss = jnp.sum(_normal_logprob(word_embeds, SIGMA))
    loss = loss + jnp.sum(_normal_logprob(context_embeds, SIGMA))
    # local prior tying state embedding to parent
    loss = loss + jnp.sum(_normal_logprob(word_embeds - rho_state0, SIGMA / 100.0))
    # Bernoulli log-likelihoods: log p(1|logit) = -softplus(-l); log p(0|logit) = -softplus(l)
    p_logloss = -jax.nn.softplus(-positive_logits)
    n_logloss = -jax.nn.softplus(negative_logits)
    loss = loss + jnp.sum(p_logloss) + jnp.sum(n_logloss)
    return loss

if __name__ == "__main__":
    import jax
    _d = setup_inputs()
    print(jax.jit(kernel)(*tuple(_d.values())))

</pallas_src>

<mosaic_0001>
#map = affine_map<(d0, d1) -> (0)>
#map1 = affine_map<(d0, d1) -> (0, 0)>
module attributes {stable_mosaic.version = 14 : i64} {
  func.func @_logits_sc_body(%arg0: i32, %arg1: i32, %arg2: memref<344064xi32, #tpu.memory_space<hbm>>, %arg3: memref<327680xi32, #tpu.memory_space<hbm>>, %arg4: memref<100000x64xf32, #tpu.memory_space<hbm>>, %arg5: memref<100000x64xf32, #tpu.memory_space<hbm>>, %arg6: memref<16384x336xf32, #tpu.memory_space<hbm>>, %arg7: memref<672xi32, #tpu.memory_space<vmem>>, %arg8: memref<640xi32, #tpu.memory_space<vmem>>, %arg9: memref<672x64xf32, #tpu.memory_space<vmem>>, %arg10: memref<640x64xf32, #tpu.memory_space<vmem>>, %arg11: memref<32x336xf32, #tpu.memory_space<vmem>>, %arg12: memref<!tpu.dma_semaphore, #tpu.memory_space<semaphore_mem>>, %arg13: memref<!tpu.dma_semaphore, #tpu.memory_space<semaphore_mem>>) attributes {dimension_semantics = [#tpu.dimension_semantics<core_parallel>, #tpu.dimension_semantics<subcore_parallel>], iteration_bounds = array<i64: 2, 16>, scalar_prefetch = 0 : i64, scratch_operands = 7 : i64, tpu.core_type = #tpu.core_type<sc_vector_subcore>, window_params = [{transform_indices = #map}, {transform_indices = #map}, {transform_indices = #map1}, {transform_indices = #map1}, {transform_indices = #map1}]} {
    %mul3A = arith.constant 2 : i32
    %mul3A_0 = arith.muli %arg1, %mul3A : i32
    %add3A = arith.addi %mul3A_0, %arg0 : i32
    %scan3A = arith.constant 0 : i32
    %scan3A_1 = arith.constant 0 : i32
    %scan3A_2 = arith.constant 16 : i32
    %scan3A_3 = arith.addi %scan3A_1, %scan3A_2 : i32
    %scan3A_4 = arith.constant 1 : i32
    scf.for %scan3A_6 = %scan3A_1 to %scan3A_3 step %scan3A_4  : i32 {
      %mul3A_7 = arith.constant 512 : i32
      %mul3A_8 = arith.muli %add3A, %mul3A_7 : i32
      %mul3A_9 = arith.constant 32 : i32
      %mul3A_10 = arith.muli %scan3A_6, %mul3A_9 : i32
      %add3A_11 = arith.addi %mul3A_8, %mul3A_10 : i32
      %mul3A_12 = arith.constant 21 : i32
      %mul3A_13 = arith.muli %add3A_11, %mul3A_12 : i32
      "tpu.region"() ({
        %run_scoped3A = tpu.sem_alloc : memref<!tpu.dma_semaphore, #tpu.memory_space<semaphore_mem>>
        %dma_start3A_32 = tpu.memref_slice %arg2[%mul3A_13] : memref<344064xi32, #tpu.memory_space<hbm>> -> memref<672xi32, #tpu.memory_space<hbm>>
        %dma_start3A_33 = tpu.memref_slice %arg2[%mul3A_13] : memref<344064xi32, #tpu.memory_space<hbm>> -> memref<672xi32, #tpu.memory_space<hbm>>
        tpu.enqueue_dma source(%dma_start3A_33 : memref<672xi32, #tpu.memory_space<hbm>>) target(%arg7 : memref<672xi32, #tpu.memory_space<vmem>>) target_semaphore(%run_scoped3A : memref<!tpu.dma_semaphore, #tpu.memory_space<semaphore_mem>>)
        %dma_wait3A_34 = tpu.memref_slice %arg2[%mul3A_13] : memref<344064xi32, #tpu.memory_space<hbm>> -> memref<672xi32, #tpu.memory_space<hbm>>
        %dma_wait3A_35 = tpu.memref_slice %arg2[%mul3A_13] : memref<344064xi32, #tpu.memory_space<hbm>> -> memref<672xi32, #tpu.memory_space<hbm>>
        tpu.wait_dma2 semaphore(%run_scoped3A : memref<!tpu.dma_semaphore, #tpu.memory_space<semaphore_mem>>) src(%dma_wait3A_35 : memref<672xi32, #tpu.memory_space<hbm>>) dst(%arg7 : memref<672xi32, #tpu.memory_space<vmem>>)
        tpu.yield
      }) : () -> ()
      %mul3A_14 = arith.constant 20 : i32
      %mul3A_15 = arith.muli %add3A_11, %mul3A_14 : i32
      "tpu.region"() ({
        %run_scoped3A = tpu.sem_alloc : memref<!tpu.dma_semaphore, #tpu.memory_space<semaphore_mem>>
        %dma_start3A_32 = tpu.memref_slice %arg3[%mul3A_15] : memref<327680xi32, #tpu.memory_space<hbm>> -> memref<640xi32, #tpu.memory_space<hbm>>
        %dma_start3A_33 = tpu.memref_slice %arg3[%mul3A_15] : memref<327680xi32, #tpu.memory_space<hbm>> -> memref<640xi32, #tpu.memory_space<hbm>>
        tpu.enqueue_dma source(%dma_start3A_33 : memref<640xi32, #tpu.memory_space<hbm>>) target(%arg8 : memref<640xi32, #tpu.memory_space<vmem>>) target_semaphore(%run_scoped3A : memref<!tpu.dma_semaphore, #tpu.memory_space<semaphore_mem>>)
        %dma_wait3A_34 = tpu.memref_slice %arg3[%mul3A_15] : memref<327680xi32, #tpu.memory_space<hbm>> -> memref<640xi32, #tpu.memory_space<hbm>>
        %dma_wait3A_35 = tpu.memref_slice %arg3[%mul3A_15] : memref<327680xi32, #tpu.memory_space<hbm>> -> memref<640xi32, #tpu.memory_space<hbm>>
        tpu.wait_dma2 semaphore(%run_scoped3A : memref<!tpu.dma_semaphore, #tpu.memory_space<semaphore_mem>>) src(%dma_wait3A_35 : memref<640xi32, #tpu.memory_space<hbm>>) dst(%arg8 : memref<640xi32, #tpu.memory_space<vmem>>)
        tpu.yield
      }) : () -> ()
      %dma_start3A = arith.constant 0 : i32
      %dma_start3A_16 = arith.constant 0 : i32
      %dma_start3A_17 = tpu.memref_slice %arg4[%dma_start3A, %dma_start3A_16] : memref<100000x64xf32, #tpu.memory_space<hbm>> -> memref<100000x64xf32, #tpu.memory_space<hbm>>
      tpu.enqueue_indirect_dma source(%dma_start3A_17 : memref<100000x64xf32, #tpu.memory_space<hbm>>) target(%arg9 : memref<672x64xf32, #tpu.memory_space<vmem>>) offsets(%arg7 : memref<672xi32, #tpu.memory_space<vmem>>) semaphore(%arg12 : memref<!tpu.dma_semaphore, #tpu.memory_space<semaphore_mem>>)
      %dma_start3A_18 = arith.constant 0 : i32
      %dma_start3A_19 = arith.constant 0 : i32
      %dma_start3A_20 = tpu.memref_slice %arg5[%dma_start3A_18, %dma_start3A_19] : memref<100000x64xf32, #tpu.memory_space<hbm>> -> memref<100000x64xf32, #tpu.memory_space<hbm>>
      tpu.enqueue_indirect_dma source(%dma_start3A_20 : memref<100000x64xf32, #tpu.memory_space<hbm>>) target(%arg10 : memref<640x64xf32, #tpu.memory_space<vmem>>) offsets(%arg8 : memref<640xi32, #tpu.memory_space<vmem>>) semaphore(%arg13 : memref<!tpu.dma_semaphore, #tpu.memory_space<semaphore_mem>>)
      %dma_wait3A = arith.constant 0 : i32
      %dma_wait3A_21 = arith.constant 0 : i32
      %dma_wait3A_22 = tpu.memref_slice %arg4[%dma_wait3A, %dma_wait3A_21] : memref<100000x64xf32, #tpu.memory_space<hbm>> -> memref<100000x64xf32, #tpu.memory_space<hbm>>
      tpu.wait_indirect_dma semaphore(%arg12 : memref<!tpu.dma_semaphore, #tpu.memory_space<semaphore_mem>>) src(%dma_wait3A_22 : memref<100000x64xf32, #tpu.memory_space<hbm>>) dst(%arg9 : memref<672x64xf32, #tpu.memory_space<vmem>>)
      %dma_wait3A_23 = arith.constant 0 : i32
      %dma_wait3A_24 = arith.constant 0 : i32
      %dma_wait3A_25 = tpu.memref_slice %arg5[%dma_wait3A_23, %dma_wait3A_24] : memref<100000x64xf32, #tpu.memory_space<hbm>> -> memref<100000x64xf32, #tpu.memory_space<hbm>>
      tpu.wait_indirect_dma semaphore(%arg13 : memref<!tpu.dma_semaphore, #tpu.memory_space<semaphore_mem>>) src(%dma_wait3A_25 : memref<100000x64xf32, #tpu.memory_space<hbm>>) dst(%arg10 : memref<640x64xf32, #tpu.memory_space<vmem>>)
      %scan3A_26 = arith.constant 0 : i32
      %scan3A_27 = arith.constant 0 : i32
      %scan3A_28 = arith.constant 32 : i32
      %scan3A_29 = arith.addi %scan3A_27, %scan3A_28 : i32
      %scan3A_30 = arith.constant 1 : i32
      scf.for %scan3A_32 = %scan3A_27 to %scan3A_29 step %scan3A_30  : i32 {
        %mul3A_33 = arith.constant 20 : i32
        %mul3A_34 = arith.muli %scan3A_32, %mul3A_33 : i32
        %get3A = arith.index_cast %mul3A_34 : i32 to index
        %get3A_35 = arith.constant 0 : index
        %get3A_36 = tpu.vector_load %arg10[%get3A, %get3A_35] {strides = array<i32>} : memref<640x64xf32, #tpu.memory_space<vmem>>, vector<1x16xf32>,
        %get3A_37 = vector.shape_cast %get3A_36 : vector<1x16xf32> to vector<16xf32>
        %mul3A_38 = arith.constant 20 : i32
        %mul3A_39 = arith.muli %scan3A_32, %mul3A_38 : i32
        %get3A_40 = arith.index_cast %mul3A_39 : i32 to index
        %get3A_41 = arith.constant 16 : index
        %get3A_42 = tpu.vector_load %arg10[%get3A_40, %get3A_41] {strides = array<i32>} : memref<640x64xf32, #tpu.memory_space<vmem>>, vector<1x16xf32>,
        %get3A_43 = vector.shape_cast %get3A_42 : vector<1x16xf32> to vector<16xf32>
        %mul3A_44 = arith.constant 20 : i32
        %mul3A_45 = arith.muli %scan3A_32, %mul3A_44 : i32
        %get3A_46 = arith.index_cast %mul3A_45 : i32 to index
        %get3A_47 = arith.constant 32 : index
        %get3A_48 = tpu.vector_load %arg10[%get3A_46, %get3A_47] {strides = array<i32>} : memref<640x64xf32, #tpu.memory_space<vmem>>, vector<1x16xf32>,
        %get3A_49 = vector.shape_cast %get3A_48 : vector<1x16xf32> to vector<16xf32>
        %mul3A_50 = arith.constant 20 : i32
        %mul3A_51 = arith.muli %scan3A_32, %mul3A_50 : i32
        %get3A_52 = arith.index_cast %mul3A_51 : i32 to index
        %get3A_53 = arith.constant 48 : index
        %get3A_54 = tpu.vector_load %arg10[%get3A_52, %get3A_53] {strides = array<i32>} : memref<640x64xf32, #tpu.memory_space<vmem>>, vector<1x16xf32>,
        %get3A_55 = vector.shape_cast %get3A_54 : vector<1x16xf32> to vector<16xf32>
        %mul3A_56 = arith.constant 20 : i32
        %mul3A_57 = arith.muli %scan3A_32, %mul3A_56 : i32
        %add3A_58 = arith.constant 1 : i32
        %add3A_59 = arith.addi %mul3A_57, %add3A_58 : i32
        %get3A_60 = arith.index_cast %add3A_59 : i32 to index
        %get3A_61 = arith.constant 0 : index
        %get3A_62 = tpu.vector_load %arg10[%get3A_60, %get3A_61] {strides = array<i32>} : memref<640x64xf32, #tpu.memory_space<vmem>>, vector<1x16xf32>,
        %get3A_63 = vector.shape_cast %get3A_62 : vector<1x16xf32> to vector<16xf32>
        %add3A_64 = arith.addf %get3A_37, %get3A_63 : vector<16xf32>
        %mul3A_65 = arith.constant 20 : i32
        %mul3A_66 = arith.muli %scan3A_32, %mul3A_65 : i32
        %add3A_67 = arith.constant 1 : i32
        %add3A_68 = arith.addi %mul3A_66, %add3A_67 : i32
        %get3A_69 = arith.index_cast %add3A_68 : i32 to index
        %get3A_70 = arith.constant 16 : index
        %get3A_71 = tpu.vector_load %arg10[%get3A_69, %get3A_70] {strides = array<i32>} : memref<640x64xf32, #tpu.memory_space<vmem>>, vector<1x16xf32>,
        %get3A_72 = vector.shape_cast %get3A_71 : vector<1x16xf32> to vector<16xf32>
        %add3A_73 = arith.addf %get3A_43, %get3A_72 : vector<16xf32>
        %mul3A_74 = arith.constant 20 : i32
        %mul3A_75 = arith.muli %scan3A_32, %mul3A_74 : i32
        %add3A_76 = arith.constant 1 : i32
        %add3A_77 = arith.addi %mul3A_75, %add3A_76 : i32
        %get3A_78 = arith.index_cast %add3A_77 : i32 to index
        %get3A_79 = arith.constant 32 : index
        %get3A_80 = tpu.vector_load %arg10[%get3A_78, %get3A_79] {strides = array<i32>} : memref<640x64xf32, #tpu.memory_space<vmem>>, vector<1x16xf32>,
        %get3A_81 = vector.shape_cast %get3A_80 : vector<1x16xf32> to vector<16xf32>
        %add3A_82 = arith.addf %get3A_49, %get3A_81 : vector<16xf32>
        %mul3A_83 = arith.constant 20 : i32
        %mul3A_84 = arith.muli %scan3A_32, %mul3A_83 : i32
        %add3A_85 = arith.constant 1 : i32
        %add3A_86 = arith.addi %mul3A_84, %add3A_85 : i32
        %get3A_87 = arith.index_cast %add3A_86 : i32 to index
        %get3A_88 = arith.constant 48 : index
        %get3A_89 = tpu.vector_load %arg10[%get3A_87, %get3A_88] {strides = array<i32>} : memref<640x64xf32, #tpu.memory_space<vmem>>, vector<1x16xf32>,
        %get3A_90 = vector.shape_cast %get3A_89 : vector<1x16xf32> to vector<16xf32>
        %add3A_91 = arith.addf %get3A_55, %get3A_90 : vector<16xf32>
        %mul3A_92 = arith.constant 20 : i32
        %mul3A_93 = arith.muli %scan3A_32, %mul3A_92 : i32
        %add3A_94 = arith.constant 2 : i32
        %add3A_95 = arith.addi %mul3A_93, %add3A_94 : i32
        %get3A_96 = arith.index_cast %add3A_95 : i32 to index
        %get3A_97 = arith.constant 0 : index
        %get3A_98 = tpu.vector_load %arg10[%get3A_96, %get3A_97] {strides = array<i32>} : memref<640x64xf32, #tpu.memory_space<vmem>>, vector<1x16xf32>,
        %get3A_99 = vector.shape_cast %get3A_98 : vector<1x16xf32> to vector<16xf32>
        %add3A_100 = arith.addf %add3A_64, %get3A_99 : vector<16xf32>
        %mul3A_101 = arith.constant 20 : i32
        %mul3A_102 = arith.muli %scan3A_32, %mul3A_101 : i32
        %add3A_103 = arith.constant 2 : i32
        %add3A_104 = arith.addi %mul3A_102, %add3A_103 : i32
        %get3A_105 = arith.index_cast %add3A_104 : i32 to index
        %get3A_106 = arith.constant 16 : index
        %get3A_107 = tpu.vector_load %arg10[%get3A_105, %get3A_106] {strides = array<i32>} : memref<640x64xf32, #tpu.memory_space<vmem>>, vector<1x16xf32>,
        %get3A_108 = vector.shape_cast %get3A_107 : vector<1x16xf32> to vector<16xf32>
        %add3A_109 = arith.addf %add3A_73, %get3A_108 : vector<16xf32>
        %mul3A_110 = arith.constant 20 : i32
        %mul3A_111 = arith.muli %scan3A_32, %mul3A_110 : i32
        %add3A_112 = arith.constant 2 : i32
        %add3A_113 = arith.addi %mul3A_111, %add3A_112 : i32
        %get3A_114 = arith.index_cast %add3A_113 : i32 to index
        %get3A_115 = arith.constant 32 : index
        %get3A_116 = tpu.vector_load %arg10[%get3A_114, %get3A_115] {strides = array<i32>} : memref<640x64xf32, #tpu.memory_space<vmem>>, vector<1x16xf32>,
        %get3A_117 = vector.shape_cast %get3A_116 : vector<1x16xf32> to vector<16xf32>
        %add3A_118 = arith.addf %add3A_82, %get3A_117 : vector<16xf32>
        %mul3A_119 = arith.constant 20 : i32
        %mul3A_120 = arith.muli %scan3A_32, %mul3A_119 : i32
        %add3A_121 = arith.constant 2 : i32
        %add3A_122 = arith.addi %mul3A_120, %add3A_121 : i32
        %get3A_123 = arith.index_cast %add3A_122 : i32 to index
        %get3A_124 = arith.constant 48 : index
        %get3A_125 = tpu.vector_load %arg10[%get3A_123, %get3A_124] {strides = array<i32>} : memref<640x64xf32, #tpu.memory_space<vmem>>, vector<1x16xf32>,
        %get3A_126 = vector.shape_cast %get3A_125 : vector<1x16xf32> to vector<16xf32>
        %add3A_127 = arith.addf %add3A_91, %get3A_126 : vector<16xf32>
        %mul3A_128 = arith.constant 20 : i32
        %mul3A_129 = arith.muli %scan3A_32, %mul3A_128 : i32
        %add3A_130 = arith.constant 3 : i32
        %add3A_131 = arith.addi %mul3A_129, %add3A_130 : i32
        %get3A_132 = arith.index_cast %add3A_131 : i32 to index
        %get3A_133 = arith.constant 0 : index
        %get3A_134 = tpu.vector_load %arg10[%get3A_132, %get3A_133] {strides = array<i32>} : memref<640x64xf32, #tpu.memory_space<vmem>>, vector<1x16xf32>,
        %get3A_135 = vector.shape_cast %get3A_134 : vector<1x16xf32> to vector<16xf32>
        %add3A_136 = arith.addf %add3A_100, %get3A_135 : vector<16xf32>
        %mul3A_137 = arith.constant 20 : i32
        %mul3A_138 = arith.muli %scan3A_32, %mul3A_137 : i32
        %add3A_139 = arith.constant 3 : i32
        %add3A_140 = arith.addi %mul3A_138, %add3A_139 : i32
        %get3A_141 = arith.index_cast %add3A_140 : i32 to index
        %get3A_142 = arith.constant 16 : index
        %get3A_143 = tpu.vector_load %arg10[%get3A_141, %get3A_142] {strides = array<i32>} : memref<640x64xf32, #tpu.memory_space<vmem>>, vector<1x16xf32>,
        %get3A_144 = vector.shape_cast %get3A_143 : vector<1x16xf32> to vector<16xf32>
        %add3A_145 = arith.addf %add3A_109, %get3A_144 : vector<16xf32>
        %mul3A_146 = arith.constant 20 : i32
        %mul3A_147 = arith.muli %scan3A_32, %mul3A_146 : i32
        %add3A_148 = arith.constant 3 : i32
        %add3A_149 = arith.addi %mul3A_147, %add3A_148 : i32
        %get3A_150 = arith.index_cast %add3A_149 : i32 to index
        %get3A_151 = arith.constant 32 : index
        %get3A_152 = tpu.vector_load %arg10[%get3A_150, %get3A_151] {strides = array<i32>} : memref<640x64xf32, #tpu.memory_space<vmem>>, vector<1x16xf32>,
        %get3A_153 = vector.shape_cast %get3A_152 : vector<1x16xf32> to vector<16xf32>
        %add3A_154 = arith.addf %add3A_118, %get3A_153 : vector<16xf32>
        %mul3A_155 = arith.constant 20 : i32
        %mul3A_156 = arith.muli %scan3A_32, %mul3A_155 : i32
        %add3A_157 = arith.constant 3 : i32
        %add3A_158 = arith.addi %mul3A_156, %add3A_157 : i32
        %get3A_159 = arith.index_cast %add3A_158 : i32 to index
        %get3A_160 = arith.constant 48 : index
        %get3A_161 = tpu.vector_load %arg10[%get3A_159, %get3A_160] {strides = array<i32>} : memref<640x64xf32, #tpu.memory_space<vmem>>, vector<1x16xf32>,
        %get3A_162 = vector.shape_cast %get3A_161 : vector<1x16xf32> to vector<16xf32>
        %add3A_163 = arith.addf %add3A_127, %get3A_162 : vector<16xf32>
        %mul3A_164 = arith.constant 20 : i32
        %mul3A_165 = arith.muli %scan3A_32, %mul3A_164 : i32
        %add3A_166 = arith.constant 4 : i32
        %add3A_167 = arith.addi %mul3A_165, %add3A_166 : i32
        %get3A_168 = arith.index_cast %add3A_167 : i32 to index
        %get3A_169 = arith.constant 0 : index
        %get3A_170 = tpu.vector_load %arg10[%get3A_168, %get3A_169] {strides = array<i32>} : memref<640x64xf32, #tpu.memory_space<vmem>>, vector<1x16xf32>,
        %get3A_171 = vector.shape_cast %get3A_170 : vector<1x16xf32> to vector<16xf32>
        %add3A_172 = arith.addf %add3A_136, %get3A_171 : vector<16xf32>
        %mul3A_173 = arith.constant 20 : i32
        %mul3A_174 = arith.muli %scan3A_32, %mul3A_173 : i32
        %add3A_175 = arith.constant 4 : i32
        %add3A_176 = arith.addi %mul3A_174, %add3A_175 : i32
        %get3A_177 = arith.index_cast %add3A_176 : i32 to index
        %get3A_178 = arith.constant 16 : index
        %get3A_179 = tpu.vector_load %arg10[%get3A_177, %get3A_178] {strides = array<i32>} : memref<640x64xf32, #tpu.memory_space<vmem>>, vector<1x16xf32>,
        %get3A_180 = vector.shape_cast %get3A_179 : vector<1x16xf32> to vector<16xf32>
        %add3A_181 = arith.addf %add3A_145, %get3A_180 : vector<16xf32>
        %mul3A_182 = arith.constant 20 : i32
        %mul3A_183 = arith.muli %scan3A_32, %mul3A_182 : i32
        %add3A_184 = arith.constant 4 : i32
        %add3A_185 = arith.addi %mul3A_183, %add3A_184 : i32
        %get3A_186 = arith.index_cast %add3A_185 : i32 to index
        %get3A_187 = arith.constant 32 : index
        %get3A_188 = tpu.vector_load %arg10[%get3A_186, %get3A_187] {strides = array<i32>} : memref<640x64xf32, #tpu.memory_space<vmem>>, vector<1x16xf32>,
        %get3A_189 = vector.shape_cast %get3A_188 : vector<1x16xf32> to vector<16xf32>
        %add3A_190 = arith.addf %add3A_154, %get3A_189 : vector<16xf32>
        %mul3A_191 = arith.constant 20 : i32
        %mul3A_192 = arith.muli %scan3A_32, %mul3A_191 : i32
        %add3A_193 = arith.constant 4 : i32
        %add3A_194 = arith.addi %mul3A_192, %add3A_193 : i32
        %get3A_195 = arith.index_cast %add3A_194 : i32 to index
        %get3A_196 = arith.constant 48 : index
        %get3A_197 = tpu.vector_load %arg10[%get3A_195, %get3A_196] {strides = array<i32>} : memref<640x64xf32, #tpu.memory_space<vmem>>, vector<1x16xf32>,
        %get3A_198 = vector.shape_cast %get3A_197 : vector<1x16xf32> to vector<16xf32>
        %add3A_199 = arith.addf %add3A_163, %get3A_198 : vector<16xf32>
        %mul3A_200 = arith.constant 20 : i32
        %mul3A_201 = arith.muli %scan3A_32, %mul3A_200 : i32
        %add3A_202 = arith.constant 5 : i32
        %add3A_203 = arith.addi %mul3A_201, %add3A_202 : i32
        %get3A_204 = arith.index_cast %add3A_203 : i32 to index
        %get3A_205 = arith.constant 0 : index
        %get3A_206 = tpu.vector_load %arg10[%get3A_204, %get3A_205] {strides = array<i32>} : memref<640x64xf32, #tpu.memory_space<vmem>>, vector<1x16xf32>,
        %get3A_207 = vector.shape_cast %get3A_206 : vector<1x16xf32> to vector<16xf32>
        %add3A_208 = arith.addf %add3A_172, %get3A_207 : vector<16xf32>
        %mul3A_209 = arith.constant 20 : i32
        %mul3A_210 = arith.muli %scan3A_32, %mul3A_209 : i32
        %add3A_211 = arith.constant 5 : i32
        %add3A_212 = arith.addi %mul3A_210, %add3A_211 : i32
        %get3A_213 = arith.index_cast %add3A_212 : i32 to index
        %get3A_214 = arith.constant 16 : index
        %get3A_215 = tpu.vector_load %arg10[%get3A_213, %get3A_214] {strides = array<i32>} : memref<640x64xf32, #tpu.memory_space<vmem>>, vector<1x16xf32>,
        %get3A_216 = vector.shape_cast %get3A_215 : vector<1x16xf32> to vector<16xf32>
        %add3A_217 = arith.addf %add3A_181, %get3A_216 : vector<16xf32>
        %mul3A_218 = arith.constant 20 : i32
        %mul3A_219 = arith.muli %scan3A_32, %mul3A_218 : i32
        %add3A_220 = arith.constant 5 : i32
        %add3A_221 = arith.addi %mul3A_219, %add3A_220 : i32
        %get3A_222 = arith.index_cast %add3A_221 : i32 to index
        %get3A_223 = arith.constant 32 : index
        %get3A_224 = tpu.vector_load %arg10[%get3A_222, %get3A_223] {strides = array<i32>} : memref<640x64xf32, #tpu.memory_space<vmem>>, vector<1x16xf32>,
        %get3A_225 = vector.shape_cast %get3A_224 : vector<1x16xf32> to vector<16xf32>
        %add3A_226 = arith.addf %add3A_190, %get3A_225 : vector<16xf32>
        %mul3A_227 = arith.constant 20 : i32
        %mul3A_228 = arith.muli %scan3A_32, %mul3A_227 : i32
        %add3A_229 = arith.constant 5 : i32
        %add3A_230 = arith.addi %mul3A_228, %add3A_229 : i32
        %get3A_231 = arith.index_cast %add3A_230 : i32 to index
        %get3A_232 = arith.constant 48 : index
        %get3A_233 = tpu.vector_load %arg10[%get3A_231, %get3A_232] {strides = array<i32>} : memref<640x64xf32, #tpu.memory_space<vmem>>, vector<1x16xf32>,
        %get3A_234 = vector.shape_cast %get3A_233 : vector<1x16xf32> to vector<16xf32>
        %add3A_235 = arith.addf %add3A_199, %get3A_234 : vector<16xf32>
        %mul3A_236 = arith.constant 20 : i32
        %mul3A_237 = arith.muli %scan3A_32, %mul3A_236 : i32
        %add3A_238 = arith.constant 6 : i32
        %add3A_239 = arith.addi %mul3A_237, %add3A_238 : i32
        %get3A_240 = arith.index_cast %add3A_239 : i32 to index
        %get3A_241 = arith.constant 0 : index
        %get3A_242 = tpu.vector_load %arg10[%get3A_240, %get3A_241] {strides = array<i32>} : memref<640x64xf32, #tpu.memory_space<vmem>>, vector<1x16xf32>,
        %get3A_243 = vector.shape_cast %get3A_242 : vector<1x16xf32> to vector<16xf32>
        %add3A_244 = arith.addf %add3A_208, %get3A_243 : vector<16xf32>
        %mul3A_245 = arith.constant 20 : i32
        %mul3A_246 = arith.muli %scan3A_32, %mul3A_245 : i32
        %add3A_247 = arith.constant 6 : i32
        %add3A_248 = arith.addi %mul3A_246, %add3A_247 : i32
        %get3A_249 = arith.index_cast %add3A_248 : i32 to index
        %get3A_250 = arith.constant 16 : index
        %get3A_251 = tpu.vector_load %arg10[%get3A_249, %get3A_250] {strides = array<i32>} : memref<640x64xf32, #tpu.memory_space<vmem>>, vector<1x16xf32>,
        %get3A_252 = vector.shape_cast %get3A_251 : vector<1x16xf32> to vector<16xf32>
        %add3A_253 = arith.addf %add3A_217, %get3A_252 : vector<16xf32>
        %mul3A_254 = arith.constant 20 : i32
        %mul3A_255 = arith.muli %scan3A_32, %mul3A_254 : i32
        %add3A_256 = arith.constant 6 : i32
        %add3A_257 = arith.addi %mul3A_255, %add3A_256 : i32
        %get3A_258 = arith.index_cast %add3A_257 : i32 to index
        %get3A_259 = arith.constant 32 : index
        %get3A_260 = tpu.vector_load %arg10[%get3A_258, %get3A_259] {strides = array<i32>} : memref<640x64xf32, #tpu.memory_space<vmem>>, vector<1x16xf32>,
        %get3A_261 = vector.shape_cast %get3A_260 : vector<1x16xf32> to vector<16xf32>
        %add3A_262 = arith.addf %add3A_226, %get3A_261 : vector<16xf32>
        %mul3A_263 = arith.constant 20 : i32
        %mul3A_264 = arith.muli %scan3A_32, %mul3A_263 : i32
        %add3A_265 = arith.constant 6 : i32
        %add3A_266 = arith.addi %mul3A_264, %add3A_265 : i32
        %get3A_267 = arith.index_cast %add3A_266 : i32 to index
        %get3A_268 = arith.constant 48 : index
        %get3A_269 = tpu.vector_load %arg10[%get3A_267, %get3A_268] {strides = array<i32>} : memref<640x64xf32, #tpu.memory_space<vmem>>, vector<1x16xf32>,
        %get3A_270 = vector.shape_cast %get3A_269 : vector<1x16xf32> to vector<16xf32>
        %add3A_271 = arith.addf %add3A_235, %get3A_270 : vector<16xf32>
        %mul3A_272 = arith.constant 20 : i32
        %mul3A_273 = arith.muli %scan3A_32, %mul3A_272 : i32
        %add3A_274 = arith.constant 7 : i32
        %add3A_275 = arith.addi %mul3A_273, %add3A_274 : i32
        %get3A_276 = arith.index_cast %add3A_275 : i32 to index
        %get3A_277 = arith.constant 0 : index
        %get3A_278 = tpu.vector_load %arg10[%get3A_276, %get3A_277] {strides = array<i32>} : memref<640x64xf32, #tpu.memory_space<vmem>>, vector<1x16xf32>,
        %get3A_279 = vector.shape_cast %get3A_278 : vector<1x16xf32> to vector<16xf32>
        %add3A_280 = arith.addf %add3A_244, %get3A_279 : vector<16xf32>
        %mul3A_281 = arith.constant 20 : i32
        %mul3A_282 = arith.muli %scan3A_32, %mul3A_281 : i32
        %add3A_283 = arith.constant 7 : i32
        %add3A_284 = arith.addi %mul3A_282, %add3A_283 : i32
        %get3A_285 = arith.index_cast %add3A_284 : i32 to index
        %get3A_286 = arith.constant 16 : index
        %get3A_287 = tpu.vector_load %arg10[%get3A_285, %get3A_286] {strides = array<i32>} : memref<640x64xf32, #tpu.memory_space<vmem>>, vector<1x16xf32>,
        %get3A_288 = vector.shape_cast %get3A_287 : vector<1x16xf32> to vector<16xf32>
        %add3A_289 = arith.addf %add3A_253, %get3A_288 : vector<16xf32>
        %mul3A_290 = arith.constant 20 : i32
        %mul3A_291 = arith.muli %scan3A_32, %mul3A_290 : i32
        %add3A_292 = arith.constant 7 : i32
        %add3A_293 = arith.addi %mul3A_291, %add3A_292 : i32
        %get3A_294 = arith.index_cast %add3A_293 : i32 to index
        %get3A_295 = arith.constant 32 : index
        %get3A_296 = tpu.vector_load %arg10[%get3A_294, %get3A_295] {strides = array<i32>} : memref<640x64xf32, #tpu.memory_space<vmem>>, vector<1x16xf32>,
        %get3A_297 = vector.shape_cast %get3A_296 : vector<1x16xf32> to vector<16xf32>
        %add3A_298 = arith.addf %add3A_262, %get3A_297 : vector<16xf32>
        %mul3A_299 = arith.constant 20 : i32
        %mul3A_300 = arith.muli %scan3A_32, %mul3A_299 : i32
        %add3A_301 = arith.constant 7 : i32
        %add3A_302 = arith.addi %mul3A_300, %add3A_301 : i32
        %get3A_303 = arith.index_cast %add3A_302 : i32 to index
        %get3A_304 = arith.constant 48 : index
        %get3A_305 = tpu.vector_load %arg10[%get3A_303, %get3A_304] {strides = array<i32>} : memref<640x64xf32, #tpu.memory_space<vmem>>, vector<1x16xf32>,
        %get3A_306 = vector.shape_cast %get3A_305 : vector<1x16xf32> to vector<16xf32>
        %add3A_307 = arith.addf %add3A_271, %get3A_306 : vector<16xf32>
        %mul3A_308 = arith.constant 20 : i32
        %mul3A_309 = arith.muli %scan3A_32, %mul3A_308 : i32
        %add3A_310 = arith.constant 8 : i32
        %add3A_311 = arith.addi %mul3A_309, %add3A_310 : i32
        %get3A_312 = arith.index_cast %add3A_311 : i32 to index
        %get3A_313 = arith.constant 0 : index
        %get3A_314 = tpu.vector_load %arg10[%get3A_312, %get3A_313] {strides = array<i32>} : memref<640x64xf32, #tpu.memory_space<vmem>>, vector<1x16xf32>,
        %get3A_315 = vector.shape_cast %get3A_314 : vector<1x16xf32> to vector<16xf32>
        %add3A_316 = arith.addf %add3A_280, %get3A_315 : vector<16xf32>
        %mul3A_317 = arith.constant 20 : i32
        %mul3A_318 = arith.muli %scan3A_32, %mul3A_317 : i32
        %add3A_319 = arith.constant 8 : i32
        %add3A_320 = arith.addi %mul3A_318, %add3A_319 : i32
        %get3A_321 = arith.index_cast %add3A_320 : i32 to index
        %get3A_322 = arith.constant 16 : index
        %get3A_323 = tpu.vector_load %arg10[%get3A_321, %get3A_322] {strides = array<i32>} : memref<640x64xf32, #tpu.memory_space<vmem>>, vector<1x16xf32>,
        %get3A_324 = vector.shape_cast %get3A_323 : vector<1x16xf32> to vector<16xf32>
        %add3A_325 = arith.addf %add3A_289, %get3A_324 : vector<16xf32>
        %mul3A_326 = arith.constant 20 : i32
        %mul3A_327 = arith.muli %scan3A_32, %mul3A_326 : i32
        %add3A_328 = arith.constant 8 : i32
        %add3A_329 = arith.addi %mul3A_327, %add3A_328 : i32
        %get3A_330 = arith.index_cast %add3A_329 : i32 to index
        %get3A_331 = arith.constant 32 : index
        %get3A_332 = tpu.vector_load %arg10[%get3A_330, %get3A_331] {strides = array<i32>} : memref<640x64xf32, #tpu.memory_space<vmem>>, vector<1x16xf32>,
        %get3A_333 = vector.shape_cast %get3A_332 : vector<1x16xf32> to vector<16xf32>
        %add3A_334 = arith.addf %add3A_298, %get3A_333 : vector<16xf32>
        %mul3A_335 = arith.constant 20 : i32
        %mul3A_336 = arith.muli %scan3A_32, %mul3A_335 : i32
        %add3A_337 = arith.constant 8 : i32
        %add3A_338 = arith.addi %mul3A_336, %add3A_337 : i32
        %get3A_339 = arith.index_cast %add3A_338 : i32 to index
        %get3A_340 = arith.constant 48 : index
        %get3A_341 = tpu.vector_load %arg10[%get3A_339, %get3A_340] {strides = array<i32>} : memref<640x64xf32, #tpu.memory_space<vmem>>, vector<1x16xf32>,
        %get3A_342 = vector.shape_cast %get3A_341 : vector<1x16xf32> to vector<16xf32>
        %add3A_343 = arith.addf %add3A_307, %get3A_342 : vector<16xf32>
        %mul3A_344 = arith.constant 20 : i32
        %mul3A_345 = arith.muli %scan3A_32, %mul3A_344 : i32
        %add3A_346 = arith.constant 9 : i32
        %add3A_347 = arith.addi %mul3A_345, %add3A_346 : i32
        %get3A_348 = arith.index_cast %add3A_347 : i32 to index
        %get3A_349 = arith.constant 0 : index
        %get3A_350 = tpu.vector_load %arg10[%get3A_348, %get3A_349] {strides = array<i32>} : memref<640x64xf32, #tpu.memory_space<vmem>>, vector<1x16xf32>,
        %get3A_351 = vector.shape_cast %get3A_350 : vector<1x16xf32> to vector<16xf32>
        %add3A_352 = arith.addf %add3A_316, %get3A_351 : vector<16xf32>
        %mul3A_353 = arith.constant 20 : i32
        %mul3A_354 = arith.muli %scan3A_32, %mul3A_353 : i32
        %add3A_355 = arith.constant 9 : i32
        %add3A_356 = arith.addi %mul3A_354, %add3A_355 : i32
        %get3A_357 = arith.index_cast %add3A_356 : i32 to index
        %get3A_358 = arith.constant 16 : index
        %get3A_359 = tpu.vector_load %arg10[%get3A_357, %get3A_358] {strides = array<i32>} : memref<640x64xf32, #tpu.memory_space<vmem>>, vector<1x16xf32>,
        %get3A_360 = vector.shape_cast %get3A_359 : vector<1x16xf32> to vector<16xf32>
        %add3A_361 = arith.addf %add3A_325, %get3A_360 : vector<16xf32>
        %mul3A_362 = arith.constant 20 : i32
        %mul3A_363 = arith.muli %scan3A_32, %mul3A_362 : i32
        %add3A_364 = arith.constant 9 : i32
        %add3A_365 = arith.addi %mul3A_363, %add3A_364 : i32
        %get3A_366 = arith.index_cast %add3A_365 : i32 to index
        %get3A_367 = arith.constant 32 : index
        %get3A_368 = tpu.vector_load %arg10[%get3A_366, %get3A_367] {strides = array<i32>} : memref<640x64xf32, #tpu.memory_space<vmem>>, vector<1x16xf32>,
        %get3A_369 = vector.shape_cast %get3A_368 : vector<1x16xf32> to vector<16xf32>
        %add3A_370 = arith.addf %add3A_334, %get3A_369 : vector<16xf32>
        %mul3A_371 = arith.constant 20 : i32
        %mul3A_372 = arith.muli %scan3A_32, %mul3A_371 : i32
        %add3A_373 = arith.constant 9 : i32
        %add3A_374 = arith.addi %mul3A_372, %add3A_373 : i32
        %get3A_375 = arith.index_cast %add3A_374 : i32 to index
        %get3A_376 = arith.constant 48 : index
        %get3A_377 = tpu.vector_load %arg10[%get3A_375, %get3A_376] {strides = array<i32>} : memref<640x64xf32, #tpu.memory_space<vmem>>, vector<1x16xf32>,
        %get3A_378 = vector.shape_cast %get3A_377 : vector<1x16xf32> to vector<16xf32>
        %add3A_379 = arith.addf %add3A_343, %get3A_378 : vector<16xf32>
        %mul3A_380 = arith.constant 20 : i32
        %mul3A_381 = arith.muli %scan3A_32, %mul3A_380 : i32
        %add3A_382 = arith.constant 10 : i32
        %add3A_383 = arith.addi %mul3A_381, %add3A_382 : i32
        %get3A_384 = arith.index_cast %add3A_383 : i32 to index
        %get3A_385 = arith.constant 0 : index
        %get3A_386 = tpu.vector_load %arg10[%get3A_384, %get3A_385] {strides = array<i32>} : memref<640x64xf32, #tpu.memory_space<vmem>>, vector<1x16xf32>,
        %get3A_387 = vector.shape_cast %get3A_386 : vector<1x16xf32> to vector<16xf32>
        %add3A_388 = arith.addf %add3A_352, %get3A_387 : vector<16xf32>
        %mul3A_389 = arith.constant 20 : i32
        %mul3A_390 = arith.muli %scan3A_32, %mul3A_389 : i32
        %add3A_391 = arith.constant 10 : i32
        %add3A_392 = arith.addi %mul3A_390, %add3A_391 : i32
        %get3A_393 = arith.index_cast %add3A_392 : i32 to index
        %get3A_394 = arith.constant 16 : index
        %get3A_395 = tpu.vector_load %arg10[%get3A_393, %get3A_394] {strides = array<i32>} : memref<640x64xf32, #tpu.memory_space<vmem>>, vector<1x16xf32>,
        %get3A_396 = vector.shape_cast %get3A_395 : vector<1x16xf32> to vector<16xf32>
        %add3A_397 = arith.addf %add3A_361, %get3A_396 : vector<16xf32>
        %mul3A_398 = arith.constant 20 : i32
        %mul3A_399 = arith.muli %scan3A_32, %mul3A_398 : i32
        %add3A_400 = arith.constant 10 : i32
        %add3A_401 = arith.addi %mul3A_399, %add3A_400 : i32
        %get3A_402 = arith.index_cast %add3A_401 : i32 to index
        %get3A_403 = arith.constant 32 : index
        %get3A_404 = tpu.vector_load %arg10[%get3A_402, %get3A_403] {strides = array<i32>} : memref<640x64xf32, #tpu.memory_space<vmem>>, vector<1x16xf32>,
        %get3A_405 = vector.shape_cast %get3A_404 : vector<1x16xf32> to vector<16xf32>
        %add3A_406 = arith.addf %add3A_370, %get3A_405 : vector<16xf32>
        %mul3A_407 = arith.constant 20 : i32
        %mul3A_408 = arith.muli %scan3A_32, %mul3A_407 : i32
        %add3A_409 = arith.constant 10 : i32
        %add3A_410 = arith.addi %mul3A_408, %add3A_409 : i32
        %get3A_411 = arith.index_cast %add3A_410 : i32 to index
        %get3A_412 = arith.constant 48 : index
        %get3A_413 = tpu.vector_load %arg10[%get3A_411, %get3A_412] {strides = array<i32>} : memref<640x64xf32, #tpu.memory_space<vmem>>, vector<1x16xf32>,
        %get3A_414 = vector.shape_cast %get3A_413 : vector<1x16xf32> to vector<16xf32>
        %add3A_415 = arith.addf %add3A_379, %get3A_414 : vector<16xf32>
        %mul3A_416 = arith.constant 20 : i32
        %mul3A_417 = arith.muli %scan3A_32, %mul3A_416 : i32
        %add3A_418 = arith.constant 11 : i32
        %add3A_419 = arith.addi %mul3A_417, %add3A_418 : i32
        %get3A_420 = arith.index_cast %add3A_419 : i32 to index
        %get3A_421 = arith.constant 0 : index
        %get3A_422 = tpu.vector_load %arg10[%get3A_420, %get3A_421] {strides = array<i32>} : memref<640x64xf32, #tpu.memory_space<vmem>>, vector<1x16xf32>,
        %get3A_423 = vector.shape_cast %get3A_422 : vector<1x16xf32> to vector<16xf32>
        %add3A_424 = arith.addf %add3A_388, %get3A_423 : vector<16xf32>
        %mul3A_425 = arith.constant 20 : i32
        %mul3A_426 = arith.muli %scan3A_32, %mul3A_425 : i32
        %add3A_427 = arith.constant 11 : i32
        %add3A_428 = arith.addi %mul3A_426, %add3A_427 : i32
        %get3A_429 = arith.index_cast %add3A_428 : i32 to index
        %get3A_430 = arith.constant 16 : index
        %get3A_431 = tpu.vector_load %arg10[%get3A_429, %get3A_430] {strides = array<i32>} : memref<640x64xf32, #tpu.memory_space<vmem>>, vector<1x16xf32>,
        %get3A_432 = vector.shape_cast %get3A_431 : vector<1x16xf32> to vector<16xf32>
        %add3A_433 = arith.addf %add3A_397, %get3A_432 : vector<16xf32>
        %mul3A_434 = arith.constant 20 : i32
        %mul3A_435 = arith.muli %scan3A_32, %mul3A_434 : i32
        %add3A_436 = arith.constant 11 : i32
        %add3A_437 = arith.addi %mul3A_435, %add3A_436 : i32
        %get3A_438 = arith.index_cast %add3A_437 : i32 to index
        %get3A_439 = arith.constant 32 : index
        %get3A_440 = tpu.vector_load %arg10[%get3A_438, %get3A_439] {strides = array<i32>} : memref<640x64xf32, #tpu.memory_space<vmem>>, vector<1x16xf32>,
        %get3A_441 = vector.shape_cast %get3A_440 : vector<1x16xf32> to vector<16xf32>
        %add3A_442 = arith.addf %add3A_406, %get3A_441 : vector<16xf32>
        %mul3A_443 = arith.constant 20 : i32
        %mul3A_444 = arith.muli %scan3A_32, %mul3A_443 : i32
        %add3A_445 = arith.constant 11 : i32
        %add3A_446 = arith.addi %mul3A_444, %add3A_445 : i32
        %get3A_447 = arith.index_cast %add3A_446 : i32 to index
        %get3A_448 = arith.constant 48 : index
        %get3A_449 = tpu.vector_load %arg10[%get3A_447, %get3A_448] {strides = array<i32>} : memref<640x64xf32, #tpu.memory_space<vmem>>, vector<1x16xf32>,
        %get3A_450 = vector.shape_cast %get3A_449 : vector<1x16xf32> to vector<16xf32>
        %add3A_451 = arith.addf %add3A_415, %get3A_450 : vector<16xf32>
        %mul3A_452 = arith.constant 20 : i32
        %mul3A_453 = arith.muli %scan3A_32, %mul3A_452 : i32
        %add3A_454 = arith.constant 12 : i32
        %add3A_455 = arith.addi %mul3A_453, %add3A_454 : i32
        %get3A_456 = arith.index_cast %add3A_455 : i32 to index
        %get3A_457 = arith.constant 0 : index
        %get3A_458 = tpu.vector_load %arg10[%get3A_456, %get3A_457] {strides = array<i32>} : memref<640x64xf32, #tpu.memory_space<vmem>>, vector<1x16xf32>,
        %get3A_459 = vector.shape_cast %get3A_458 : vector<1x16xf32> to vector<16xf32>
        %add3A_460 = arith.addf %add3A_424, %get3A_459 : vector<16xf32>
        %mul3A_461 = arith.constant 20 : i32
        %mul3A_462 = arith.muli %scan3A_32, %mul3A_461 : i32
        %add3A_463 = arith.constant 12 : i32
        %add3A_464 = arith.addi %mul3A_462, %add3A_463 : i32
        %get3A_465 = arith.index_cast %add3A_464 : i32 to index
        %get3A_466 = arith.constant 16 : index
        %get3A_467 = tpu.vector_load %arg10[%get3A_465, %get3A_466] {strides = array<i32>} : memref<640x64xf32, #tpu.memory_space<vmem>>, vector<1x16xf32>,
        %get3A_468 = vector.shape_cast %get3A_467 : vector<1x16xf32> to vector<16xf32>
        %add3A_469 = arith.addf %add3A_433, %get3A_468 : vector<16xf32>
        %mul3A_470 = arith.constant 20 : i32
        %mul3A_471 = arith.muli %scan3A_32, %mul3A_470 : i32
        %add3A_472 = arith.constant 12 : i32
        %add3A_473 = arith.addi %mul3A_471, %add3A_472 : i32
        %get3A_474 = arith.index_cast %add3A_473 : i32 to index
        %get3A_475 = arith.constant 32 : index
        %get3A_476 = tpu.vector_load %arg10[%get3A_474, %get3A_475] {strides = array<i32>} : memref<640x64xf32, #tpu.memory_space<vmem>>, vector<1x16xf32>,
        %get3A_477 = vector.shape_cast %get3A_476 : vector<1x16xf32> to vector<16xf32>
        %add3A_478 = arith.addf %add3A_442, %get3A_477 : vector<16xf32>
        %mul3A_479 = arith.constant 20 : i32
        %mul3A_480 = arith.muli %scan3A_32, %mul3A_479 : i32
        %add3A_481 = arith.constant 12 : i32
        %add3A_482 = arith.addi %mul3A_480, %add3A_481 : i32
        %get3A_483 = arith.index_cast %add3A_482 : i32 to index
        %get3A_484 = arith.constant 48 : index
        %get3A_485 = tpu.vector_load %arg10[%get3A_483, %get3A_484] {strides = array<i32>} : memref<640x64xf32, #tpu.memory_space<vmem>>, vector<1x16xf32>,
        %get3A_486 = vector.shape_cast %get3A_485 : vector<1x16xf32> to vector<16xf32>
        %add3A_487 = arith.addf %add3A_451, %get3A_486 : vector<16xf32>
        %mul3A_488 = arith.constant 20 : i32
        %mul3A_489 = arith.muli %scan3A_32, %mul3A_488 : i32
        %add3A_490 = arith.constant 13 : i32
        %add3A_491 = arith.addi %mul3A_489, %add3A_490 : i32
        %get3A_492 = arith.index_cast %add3A_491 : i32 to index
        %get3A_493 = arith.constant 0 : index
        %get3A_494 = tpu.vector_load %arg10[%get3A_492, %get3A_493] {strides = array<i32>} : memref<640x64xf32, #tpu.memory_space<vmem>>, vector<1x16xf32>,
        %get3A_495 = vector.shape_cast %get3A_494 : vector<1x16xf32> to vector<16xf32>
        %add3A_496 = arith.addf %add3A_460, %get3A_495 : vector<16xf32>
        %mul3A_497 = arith.constant 20 : i32
        %mul3A_498 = arith.muli %scan3A_32, %mul3A_497 : i32
        %add3A_499 = arith.constant 13 : i32
        %add3A_500 = arith.addi %mul3A_498, %add3A_499 : i32
        %get3A_501 = arith.index_cast %add3A_500 : i32 to index
        %get3A_502 = arith.constant 16 : index
        %get3A_503 = tpu.vector_load %arg10[%get3A_501, %get3A_502] {strides = array<i32>} : memref<640x64xf32, #tpu.memory_space<vmem>>, vector<1x16xf32>,
        %get3A_504 = vector.shape_cast %get3A_503 : vector<1x16xf32> to vector<16xf32>
        %add3A_505 = arith.addf %add3A_469, %get3A_504 : vector<16xf32>
        %mul3A_506 = arith.constant 20 : i32
        %mul3A_507 = arith.muli %scan3A_32, %mul3A_506 : i32
        %add3A_508 = arith.constant 13 : i32
        %add3A_509 = arith.addi %mul3A_507, %add3A_508 : i32
        %get3A_510 = arith.index_cast %add3A_509 : i32 to index
        %get3A_511 = arith.constant 32 : index
        %get3A_512 = tpu.vector_load %arg10[%get3A_510, %get3A_511] {strides = array<i32>} : memref<640x64xf32, #tpu.memory_space<vmem>>, vector<1x16xf32>,
        %get3A_513 = vector.shape_cast %get3A_512 : vector<1x16xf32> to vector<16xf32>
        %add3A_514 = arith.addf %add3A_478, %get3A_513 : vector<16xf32>
        %mul3A_515 = arith.constant 20 : i32
        %mul3A_516 = arith.muli %scan3A_32, %mul3A_515 : i32
        %add3A_517 = arith.constant 13 : i32
        %add3A_518 = arith.addi %mul3A_516, %add3A_517 : i32
        %get3A_519 = arith.index_cast %add3A_518 : i32 to index
        %get3A_520 = arith.constant 48 : index
        %get3A_521 = tpu.vector_load %arg10[%get3A_519, %get3A_520] {strides = array<i32>} : memref<640x64xf32, #tpu.memory_space<vmem>>, vector<1x16xf32>,
        %get3A_522 = vector.shape_cast %get3A_521 : vector<1x16xf32> to vector<16xf32>
        %add3A_523 = arith.addf %add3A_487, %get3A_522 : vector<16xf32>
        %mul3A_524 = arith.constant 20 : i32
        %mul3A_525 = arith.muli %scan3A_32, %mul3A_524 : i32
        %add3A_526 = arith.constant 14 : i32
        %add3A_527 = arith.addi %mul3A_525, %add3A_526 : i32
        %get3A_528 = arith.index_cast %add3A_527 : i32 to index
        %get3A_529 = arith.constant 0 : index
        %get3A_530 = tpu.vector_load %arg10[%get3A_528, %get3A_529] {strides = array<i32>} : memref<640x64xf32, #tpu.memory_space<vmem>>, vector<1x16xf32>,
        %get3A_531 = vector.shape_cast %get3A_530 : vector<1x16xf32> to vector<16xf32>
        %add3A_532 = arith.addf %add3A_496, %get3A_531 : vector<16xf32>
        %mul3A_533 = arith.constant 20 : i32
        %mul3A_534 = arith.muli %scan3A_32, %mul3A_533 : i32
        %add3A_535 = arith.constant 14 : i32
        %add3A_536 = arith.addi %mul3A_534, %add3A_535 : i32
        %get3A_537 = arith.index_cast %add3A_536 : i32 to index
        %get3A_538 = arith.constant 16 : index
        %get3A_539 = tpu.vector_load %arg10[%get3A_537, %get3A_538] {strides = array<i32>} : memref<640x64xf32, #tpu.memory_space<vmem>>, vector<1x16xf32>,
        %get3A_540 = vector.shape_cast %get3A_539 : vector<1x16xf32> to vector<16xf32>
        %add3A_541 = arith.addf %add3A_505, %get3A_540 : vector<16xf32>
        %mul3A_542 = arith.constant 20 : i32
        %mul3A_543 = arith.muli %scan3A_32, %mul3A_542 : i32
        %add3A_544 = arith.constant 14 : i32
        %add3A_545 = arith.addi %mul3A_543, %add3A_544 : i32
        %get3A_546 = arith.index_cast %add3A_545 : i32 to index
        %get3A_547 = arith.constant 32 : index
        %get3A_548 = tpu.vector_load %arg10[%get3A_546, %get3A_547] {strides = array<i32>} : memref<640x64xf32, #tpu.memory_space<vmem>>, vector<1x16xf32>,
        %get3A_549 = vector.shape_cast %get3A_548 : vector<1x16xf32> to vector<16xf32>
        %add3A_550 = arith.addf %add3A_514, %get3A_549 : vector<16xf32>
        %mul3A_551 = arith.constant 20 : i32
        %mul3A_552 = arith.muli %scan3A_32, %mul3A_551 : i32
        %add3A_553 = arith.constant 14 : i32
        %add3A_554 = arith.addi %mul3A_552, %add3A_553 : i32
        %get3A_555 = arith.index_cast %add3A_554 : i32 to index
        %get3A_556 = arith.constant 48 : index
        %get3A_557 = tpu.vector_load %arg10[%get3A_555, %get3A_556] {strides = array<i32>} : memref<640x64xf32, #tpu.memory_space<vmem>>, vector<1x16xf32>,
        %get3A_558 = vector.shape_cast %get3A_557 : vector<1x16xf32> to vector<16xf32>
        %add3A_559 = arith.addf %add3A_523, %get3A_558 : vector<16xf32>
        %mul3A_560 = arith.constant 20 : i32
        %mul3A_561 = arith.muli %scan3A_32, %mul3A_560 : i32
        %add3A_562 = arith.constant 15 : i32
        %add3A_563 = arith.addi %mul3A_561, %add3A_562 : i32
        %get3A_564 = arith.index_cast %add3A_563 : i32 to index
        %get3A_565 = arith.constant 0 : index
        %get3A_566 = tpu.vector_load %arg10[%get3A_564, %get3A_565] {strides = array<i32>} : memref<640x64xf32, #tpu.memory_space<vmem>>, vector<1x16xf32>,
        %get3A_567 = vector.shape_cast %get3A_566 : vector<1x16xf32> to vector<16xf32>
        %add3A_568 = arith.addf %add3A_532, %get3A_567 : vector<16xf32>
        %mul3A_569 = arith.constant 20 : i32
        %mul3A_570 = arith.muli %scan3A_32, %mul3A_569 : i32
        %add3A_571 = arith.constant 15 : i32
        %add3A_572 = arith.addi %mul3A_570, %add3A_571 : i32
        %get3A_573 = arith.index_cast %add3A_572 : i32 to index
        %get3A_574 = arith.constant 16 : index
        %get3A_575 = tpu.vector_load %arg10[%get3A_573, %get3A_574] {strides = array<i32>} : memref<640x64xf32, #tpu.memory_space<vmem>>, vector<1x16xf32>,
        %get3A_576 = vector.shape_cast %get3A_575 : vector<1x16xf32> to vector<16xf32>
        %add3A_577 = arith.addf %add3A_541, %get3A_576 : vector<16xf32>
        %mul3A_578 = arith.constant 20 : i32
        %mul3A_579 = arith.muli %scan3A_32, %mul3A_578 : i32
        %add3A_580 = arith.constant 15 : i32
        %add3A_581 = arith.addi %mul3A_579, %add3A_580 : i32
        %get3A_582 = arith.index_cast %add3A_581 : i32 to index
        %get3A_583 = arith.constant 32 : index
        %get3A_584 = tpu.vector_load %arg10[%get3A_582, %get3A_583] {strides = array<i32>} : memref<640x64xf32, #tpu.memory_space<vmem>>, vector<1x16xf32>,
        %get3A_585 = vector.shape_cast %get3A_584 : vector<1x16xf32> to vector<16xf32>
        %add3A_586 = arith.addf %add3A_550, %get3A_585 : vector<16xf32>
        %mul3A_587 = arith.constant 20 : i32
        %mul3A_588 = arith.muli %scan3A_32, %mul3A_587 : i32
        %add3A_589 = arith.constant 15 : i32
        %add3A_590 = arith.addi %mul3A_588, %add3A_589 : i32
        %get3A_591 = arith.index_cast %add3A_590 : i32 to index
        %get3A_592 = arith.constant 48 : index
        %get3A_593 = tpu.vector_load %arg10[%get3A_591, %get3A_592] {strides = array<i32>} : memref<640x64xf32, #tpu.memory_space<vmem>>, vector<1x16xf32>,
        %get3A_594 = vector.shape_cast %get3A_593 : vector<1x16xf32> to vector<16xf32>
        %add3A_595 = arith.addf %add3A_559, %get3A_594 : vector<16xf32>
        %mul3A_596 = arith.constant 20 : i32
        %mul3A_597 = arith.muli %scan3A_32, %mul3A_596 : i32
        %add3A_598 = arith.constant 16 : i32
        %add3A_599 = arith.addi %mul3A_597, %add3A_598 : i32
        %get3A_600 = arith.index_cast %add3A_599 : i32 to index
        %get3A_601 = arith.constant 0 : index
        %get3A_602 = tpu.vector_load %arg10[%get3A_600, %get3A_601] {strides = array<i32>} : memref<640x64xf32, #tpu.memory_space<vmem>>, vector<1x16xf32>,
        %get3A_603 = vector.shape_cast %get3A_602 : vector<1x16xf32> to vector<16xf32>
        %add3A_604 = arith.addf %add3A_568, %get3A_603 : vector<16xf32>
        %mul3A_605 = arith.constant 20 : i32
        %mul3A_606 = arith.muli %scan3A_32, %mul3A_605 : i32
        %add3A_607 = arith.constant 16 : i32
        %add3A_608 = arith.addi %mul3A_606, %add3A_607 : i32
        %get3A_609 = arith.index_cast %add3A_608 : i32 to index
        %get3A_610 = arith.constant 16 : index
        %get3A_611 = tpu.vector_load %arg10[%get3A_609, %get3A_610] {strides = array<i32>} : memref<640x64xf32, #tpu.memory_space<vmem>>, vector<1x16xf32>,
        %get3A_612 = vector.shape_cast %get3A_611 : vector<1x16xf32> to vector<16xf32>
        %add3A_613 = arith.addf %add3A_577, %get3A_612 : vector<16xf32>
        %mul3A_614 = arith.constant 20 : i32
        %mul3A_615 = arith.muli %scan3A_32, %mul3A_614 : i32
        %add3A_616 = arith.constant 16 : i32
        %add3A_617 = arith.addi %mul3A_615, %add3A_616 : i32
        %get3A_618 = arith.index_cast %add3A_617 : i32 to index
        %get3A_619 = arith.constant 32 : index
        %get3A_620 = tpu.vector_load %arg10[%get3A_618, %get3A_619] {strides = array<i32>} : memref<640x64xf32, #tpu.memory_space<vmem>>, vector<1x16xf32>,
        %get3A_621 = vector.shape_cast %get3A_620 : vector<1x16xf32> to vector<16xf32>
        %add3A_622 = arith.addf %add3A_586, %get3A_621 : vector<16xf32>
        %mul3A_623 = arith.constant 20 : i32
        %mul3A_624 = arith.muli %scan3A_32, %mul3A_623 : i32
        %add3A_625 = arith.constant 16 : i32
        %add3A_626 = arith.addi %mul3A_624, %add3A_625 : i32
        %get3A_627 = arith.index_cast %add3A_626 : i32 to index
        %get3A_628 = arith.constant 48 : index
        %get3A_629 = tpu.vector_load %arg10[%get3A_627, %get3A_628] {strides = array<i32>} : memref<640x64xf32, #tpu.memory_space<vmem>>, vector<1x16xf32>,
        %get3A_630 = vector.shape_cast %get3A_629 : vector<1x16xf32> to vector<16xf32>
        %add3A_631 = arith.addf %add3A_595, %get3A_630 : vector<16xf32>
        %mul3A_632 = arith.constant 20 : i32
        %mul3A_633 = arith.muli %scan3A_32, %mul3A_632 : i32
        %add3A_634 = arith.constant 17 : i32
        %add3A_635 = arith.addi %mul3A_633, %add3A_634 : i32
        %get3A_636 = arith.index_cast %add3A_635 : i32 to index
        %get3A_637 = arith.constant 0 : index
        %get3A_638 = tpu.vector_load %arg10[%get3A_636, %get3A_637] {strides = array<i32>} : memref<640x64xf32, #tpu.memory_space<vmem>>, vector<1x16xf32>,
        %get3A_639 = vector.shape_cast %get3A_638 : vector<1x16xf32> to vector<16xf32>
        %add3A_640 = arith.addf %add3A_604, %get3A_639 : vector<16xf32>
        %mul3A_641 = arith.constant 20 : i32
        %mul3A_642 = arith.muli %scan3A_32, %mul3A_641 : i32
        %add3A_643 = arith.constant 17 : i32
        %add3A_644 = arith.addi %mul3A_642, %add3A_643 : i32
        %get3A_645 = arith.index_cast %add3A_644 : i32 to index
        %get3A_646 = arith.constant 16 : index
        %get3A_647 = tpu.vector_load %arg10[%get3A_645, %get3A_646] {strides = array<i32>} : memref<640x64xf32, #tpu.memory_space<vmem>>, vector<1x16xf32>,
        %get3A_648 = vector.shape_cast %get3A_647 : vector<1x16xf32> to vector<16xf32>
        %add3A_649 = arith.addf %add3A_613, %get3A_648 : vector<16xf32>
        %mul3A_650 = arith.constant 20 : i32
        %mul3A_651 = arith.muli %scan3A_32, %mul3A_650 : i32
        %add3A_652 = arith.constant 17 : i32
        %add3A_653 = arith.addi %mul3A_651, %add3A_652 : i32
        %get3A_654 = arith.index_cast %add3A_653 : i32 to index
        %get3A_655 = arith.constant 32 : index
        %get3A_656 = tpu.vector_load %arg10[%get3A_654, %get3A_655] {strides = array<i32>} : memref<640x64xf32, #tpu.memory_space<vmem>>, vector<1x16xf32>,
        %get3A_657 = vector.shape_cast %get3A_656 : vector<1x16xf32> to vector<16xf32>
        %add3A_658 = arith.addf %add3A_622, %get3A_657 : vector<16xf32>
        %mul3A_659 = arith.constant 20 : i32
        %mul3A_660 = arith.muli %scan3A_32, %mul3A_659 : i32
        %add3A_661 = arith.constant 17 : i32
        %add3A_662 = arith.addi %mul3A_660, %add3A_661 : i32
        %get3A_663 = arith.index_cast %add3A_662 : i32 to index
        %get3A_664 = arith.constant 48 : index
        %get3A_665 = tpu.vector_load %arg10[%get3A_663, %get3A_664] {strides = array<i32>} : memref<640x64xf32, #tpu.memory_space<vmem>>, vector<1x16xf32>,
        %get3A_666 = vector.shape_cast %get3A_665 : vector<1x16xf32> to vector<16xf32>
        %add3A_667 = arith.addf %add3A_631, %get3A_666 : vector<16xf32>
        %mul3A_668 = arith.constant 20 : i32
        %mul3A_669 = arith.muli %scan3A_32, %mul3A_668 : i32
        %add3A_670 = arith.constant 18 : i32
        %add3A_671 = arith.addi %mul3A_669, %add3A_670 : i32
        %get3A_672 = arith.index_cast %add3A_671 : i32 to index
        %get3A_673 = arith.constant 0 : index
        %get3A_674 = tpu.vector_load %arg10[%get3A_672, %get3A_673] {strides = array<i32>} : memref<640x64xf32, #tpu.memory_space<vmem>>, vector<1x16xf32>,
        %get3A_675 = vector.shape_cast %get3A_674 : vector<1x16xf32> to vector<16xf32>
        %add3A_676 = arith.addf %add3A_640, %get3A_675 : vector<16xf32>
        %mul3A_677 = arith.constant 20 : i32
        %mul3A_678 = arith.muli %scan3A_32, %mul3A_677 : i32
        %add3A_679 = arith.constant 18 : i32
        %add3A_680 = arith.addi %mul3A_678, %add3A_679 : i32
        %get3A_681 = arith.index_cast %add3A_680 : i32 to index
        %get3A_682 = arith.constant 16 : index
        %get3A_683 = tpu.vector_load %arg10[%get3A_681, %get3A_682] {strides = array<i32>} : memref<640x64xf32, #tpu.memory_space<vmem>>, vector<1x16xf32>,
        %get3A_684 = vector.shape_cast %get3A_683 : vector<1x16xf32> to vector<16xf32>
        %add3A_685 = arith.addf %add3A_649, %get3A_684 : vector<16xf32>
        %mul3A_686 = arith.constant 20 : i32
        %mul3A_687 = arith.muli %scan3A_32, %mul3A_686 : i32
        %add3A_688 = arith.constant 18 : i32
        %add3A_689 = arith.addi %mul3A_687, %add3A_688 : i32
        %get3A_690 = arith.index_cast %add3A_689 : i32 to index
        %get3A_691 = arith.constant 32 : index
        %get3A_692 = tpu.vector_load %arg10[%get3A_690, %get3A_691] {strides = array<i32>} : memref<640x64xf32, #tpu.memory_space<vmem>>, vector<1x16xf32>,
        %get3A_693 = vector.shape_cast %get3A_692 : vector<1x16xf32> to vector<16xf32>
        %add3A_694 = arith.addf %add3A_658, %get3A_693 : vector<16xf32>
        %mul3A_695 = arith.constant 20 : i32
        %mul3A_696 = arith.muli %scan3A_32, %mul3A_695 : i32
        %add3A_697 = arith.constant 18 : i32
        %add3A_698 = arith.addi %mul3A_696, %add3A_697 : i32
        %get3A_699 = arith.index_cast %add3A_698 : i32 to index
        %get3A_700 = arith.constant 48 : index
        %get3A_701 = tpu.vector_load %arg10[%get3A_699, %get3A_700] {strides = array<i32>} : memref<640x64xf32, #tpu.memory_space<vmem>>, vector<1x16xf32>,
        %get3A_702 = vector.shape_cast %get3A_701 : vector<1x16xf32> to vector<16xf32>
        %add3A_703 = arith.addf %add3A_667, %get3A_702 : vector<16xf32>
        %mul3A_704 = arith.constant 20 : i32
        %mul3A_705 = arith.muli %scan3A_32, %mul3A_704 : i32
        %add3A_706 = arith.constant 19 : i32
        %add3A_707 = arith.addi %mul3A_705, %add3A_706 : i32
        %get3A_708 = arith.index_cast %add3A_707 : i32 to index
        %get3A_709 = arith.constant 0 : index
        %get3A_710 = tpu.vector_load %arg10[%get3A_708, %get3A_709] {strides = array<i32>} : memref<640x64xf32, #tpu.memory_space<vmem>>, vector<1x16xf32>,
        %get3A_711 = vector.shape_cast %get3A_710 : vector<1x16xf32> to vector<16xf32>
        %add3A_712 = arith.addf %add3A_676, %get3A_711 : vector<16xf32>
        %mul3A_713 = arith.constant 20 : i32
        %mul3A_714 = arith.muli %scan3A_32, %mul3A_713 : i32
        %add3A_715 = arith.constant 19 : i32
        %add3A_716 = arith.addi %mul3A_714, %add3A_715 : i32
        %get3A_717 = arith.index_cast %add3A_716 : i32 to index
        %get3A_718 = arith.constant 16 : index
        %get3A_719 = tpu.vector_load %arg10[%get3A_717, %get3A_718] {strides = array<i32>} : memref<640x64xf32, #tpu.memory_space<vmem>>, vector<1x16xf32>,
        %get3A_720 = vector.shape_cast %get3A_719 : vector<1x16xf32> to vector<16xf32>
        %add3A_721 = arith.addf %add3A_685, %get3A_720 : vector<16xf32>
        %mul3A_722 = arith.constant 20 : i32
        %mul3A_723 = arith.muli %scan3A_32, %mul3A_722 : i32
        %add3A_724 = arith.constant 19 : i32
        %add3A_725 = arith.addi %mul3A_723, %add3A_724 : i32
        %get3A_726 = arith.index_cast %add3A_725 : i32 to index
        %get3A_727 = arith.constant 32 : index
        %get3A_728 = tpu.vector_load %arg10[%get3A_726, %get3A_727] {strides = array<i32>} : memref<640x64xf32, #tpu.memory_space<vmem>>, vector<1x16xf32>,
        %get3A_729 = vector.shape_cast %get3A_728 : vector<1x16xf32> to vector<16xf32>
        %add3A_730 = arith.addf %add3A_694, %get3A_729 : vector<16xf32>
        %mul3A_731 = arith.constant 20 : i32
        %mul3A_732 = arith.muli %scan3A_32, %mul3A_731 : i32
        %add3A_733 = arith.constant 19 : i32
        %add3A_734 = arith.addi %mul3A_732, %add3A_733 : i32
        %get3A_735 = arith.index_cast %add3A_734 : i32 to index
        %get3A_736 = arith.constant 48 : index
        %get3A_737 = tpu.vector_load %arg10[%get3A_735, %get3A_736] {strides = array<i32>} : memref<640x64xf32, #tpu.memory_space<vmem>>, vector<1x16xf32>,
        %get3A_738 = vector.shape_cast %get3A_737 : vector<1x16xf32> to vector<16xf32>
        %add3A_739 = arith.addf %add3A_703, %get3A_738 : vector<16xf32>
        %mul3A_740 = arith.constant 21 : i32
        %mul3A_741 = arith.muli %scan3A_32, %mul3A_740 : i32
        %add3A_742 = arith.constant 0 : i32
        %add3A_743 = arith.addi %mul3A_741, %add3A_742 : i32
        %get3A_744 = arith.index_cast %add3A_743 : i32 to index
        %get3A_745 = arith.constant 0 : index
        %get3A_746 = tpu.vector_load %arg9[%get3A_744, %get3A_745] {strides = array<i32>} : memref<672x64xf32, #tpu.memory_space<vmem>>, vector<1x16xf32>,
        %get3A_747 = vector.shape_cast %get3A_746 : vector<1x16xf32> to vector<16xf32>
        %mul3A_748 = arith.mulf %get3A_747, %add3A_712 : vector<16xf32>
        %mul3A_749 = arith.constant 21 : i32
        %mul3A_750 = arith.muli %scan3A_32, %mul3A_749 : i32
        %add3A_751 = arith.constant 0 : i32
        %add3A_752 = arith.addi %mul3A_750, %add3A_751 : i32
        %get3A_753 = arith.index_cast %add3A_752 : i32 to index
        %get3A_754 = arith.constant 16 : index
        %get3A_755 = tpu.vector_load %arg9[%get3A_753, %get3A_754] {strides = array<i32>} : memref<672x64xf32, #tpu.memory_space<vmem>>, vector<1x16xf32>,
        %get3A_756 = vector.shape_cast %get3A_755 : vector<1x16xf32> to vector<16xf32>
        %mul3A_757 = arith.mulf %get3A_756, %add3A_721 : vector<16xf32>
        %add3A_758 = arith.addf %mul3A_748, %mul3A_757 : vector<16xf32>
        %mul3A_759 = arith.constant 21 : i32
        %mul3A_760 = arith.muli %scan3A_32, %mul3A_759 : i32
        %add3A_761 = arith.constant 0 : i32
        %add3A_762 = arith.addi %mul3A_760, %add3A_761 : i32
        %get3A_763 = arith.index_cast %add3A_762 : i32 to index
        %get3A_764 = arith.constant 32 : index
        %get3A_765 = tpu.vector_load %arg9[%get3A_763, %get3A_764] {strides = array<i32>} : memref<672x64xf32, #tpu.memory_space<vmem>>, vector<1x16xf32>,
        %get3A_766 = vector.shape_cast %get3A_765 : vector<1x16xf32> to vector<16xf32>
        %mul3A_767 = arith.mulf %get3A_766, %add3A_730 : vector<16xf32>
        %add3A_768 = arith.addf %add3A_758, %mul3A_767 : vector<16xf32>
        %mul3A_769 = arith.constant 21 : i32
        %mul3A_770 = arith.muli %scan3A_32, %mul3A_769 : i32
        %add3A_771 = arith.constant 0 : i32
        %add3A_772 = arith.addi %mul3A_770, %add3A_771 : i32
        %get3A_773 = arith.index_cast %add3A_772 : i32 to index
        %get3A_774 = arith.constant 48 : index
        %get3A_775 = tpu.vector_load %arg9[%get3A_773, %get3A_774] {strides = array<i32>} : memref<672x64xf32, #tpu.memory_space<vmem>>, vector<1x16xf32>,
        %get3A_776 = vector.shape_cast %get3A_775 : vector<1x16xf32> to vector<16xf32>
        %mul3A_777 = arith.mulf %get3A_776, %add3A_739 : vector<16xf32>
        %add3A_778 = arith.addf %add3A_768, %mul3A_777 : vector<16xf32>
        %swap3A = arith.index_cast %scan3A_32 : i32 to index
        %swap3A_779 = arith.constant 0 : index
        %swap3A_780 = tpu.vector_load %arg11[%swap3A, %swap3A_779] {strides = array<i32>} : memref<32x336xf32, #tpu.memory_space<vmem>>, vector<1x16xf32>,
        %swap3A_781 = vector.shape_cast %swap3A_780 : vector<1x16xf32> to vector<16xf32>
        %swap3A_782 = vector.shape_cast %add3A_778 : vector<16xf32> to vector<1x16xf32>
        tpu.vector_store %arg11[%swap3A, %swap3A_779], %swap3A_782 {strides = array<i32>} : memref<32x336xf32, #tpu.memory_space<vmem>>, vector<1x16xf32>,
        %mul3A_783 = arith.constant 21 : i32
        %mul3A_784 = arith.muli %scan3A_32, %mul3A_783 : i32
        %add3A_785 = arith.constant 1 : i32
        %add3A_786 = arith.addi %mul3A_784, %add3A_785 : i32
        %get3A_787 = arith.index_cast %add3A_786 : i32 to index
        %get3A_788 = arith.constant 0 : index
        %get3A_789 = tpu.vector_load %arg9[%get3A_787, %get3A_788] {strides = array<i32>} : memref<672x64xf32, #tpu.memory_space<vmem>>, vector<1x16xf32>,
        %get3A_790 = vector.shape_cast %get3A_789 : vector<1x16xf32> to vector<16xf32>
        %mul3A_791 = arith.mulf %get3A_790, %add3A_712 : vector<16xf32>
        %mul3A_792 = arith.constant 21 : i32
        %mul3A_793 = arith.muli %scan3A_32, %mul3A_792 : i32
        %add3A_794 = arith.constant 1 : i32
        %add3A_795 = arith.addi %mul3A_793, %add3A_794 : i32
        %get3A_796 = arith.index_cast %add3A_795 : i32 to index
        %get3A_797 = arith.constant 16 : index
        %get3A_798 = tpu.vector_load %arg9[%get3A_796, %get3A_797] {strides = array<i32>} : memref<672x64xf32, #tpu.memory_space<vmem>>, vector<1x16xf32>,
        %get3A_799 = vector.shape_cast %get3A_798 : vector<1x16xf32> to vector<16xf32>
        %mul3A_800 = arith.mulf %get3A_799, %add3A_721 : vector<16xf32>
        %add3A_801 = arith.addf %mul3A_791, %mul3A_800 : vector<16xf32>
        %mul3A_802 = arith.constant 21 : i32
        %mul3A_803 = arith.muli %scan3A_32, %mul3A_802 : i32
        %add3A_804 = arith.constant 1 : i32
        %add3A_805 = arith.addi %mul3A_803, %add3A_804 : i32
        %get3A_806 = arith.index_cast %add3A_805 : i32 to index
        %get3A_807 = arith.constant 32 : index
        %get3A_808 = tpu.vector_load %arg9[%get3A_806, %get3A_807] {strides = array<i32>} : memref<672x64xf32, #tpu.memory_space<vmem>>, vector<1x16xf32>,
        %get3A_809 = vector.shape_cast %get3A_808 : vector<1x16xf32> to vector<16xf32>
        %mul3A_810 = arith.mulf %get3A_809, %add3A_730 : vector<16xf32>
        %add3A_811 = arith.addf %add3A_801, %mul3A_810 : vector<16xf32>
        %mul3A_812 = arith.constant 21 : i32
        %mul3A_813 = arith.muli %scan3A_32, %mul3A_812 : i32
        %add3A_814 = arith.constant 1 : i32
        %add3A_815 = arith.addi %mul3A_813, %add3A_814 : i32
        %get3A_816 = arith.index_cast %add3A_815 : i32 to index
        %get3A_817 = arith.constant 48 : index
        %get3A_818 = tpu.vector_load %arg9[%get3A_816, %get3A_817] {strides = array<i32>} : memref<672x64xf32, #tpu.memory_space<vmem>>, vector<1x16xf32>,
        %get3A_819 = vector.shape_cast %get3A_818 : vector<1x16xf32> to vector<16xf32>
        %mul3A_820 = arith.mulf %get3A_819, %add3A_739 : vector<16xf32>
        %add3A_821 = arith.addf %add3A_811, %mul3A_820 : vector<16xf32>
        %swap3A_822 = arith.index_cast %scan3A_32 : i32 to index
        %swap3A_823 = arith.constant 16 : index
        %swap3A_824 = tpu.vector_load %arg11[%swap3A_822, %swap3A_823] {strides = array<i32>} : memref<32x336xf32, #tpu.memory_space<vmem>>, vector<1x16xf32>,
        %swap3A_825 = vector.shape_cast %swap3A_824 : vector<1x16xf32> to vector<16xf32>
        %swap3A_826 = vector.shape_cast %add3A_821 : vector<16xf32> to vector<1x16xf32>
        tpu.vector_store %arg11[%swap3A_822, %swap3A_823], %swap3A_826 {strides = array<i32>} : memref<32x336xf32, #tpu.memory_space<vmem>>, vector<1x16xf32>,
        %mul3A_827 = arith.constant 21 : i32
        %mul3A_828 = arith.muli %scan3A_32, %mul3A_827 : i32
        %add3A_829 = arith.constant 2 : i32
        %add3A_830 = arith.addi %mul3A_828, %add3A_829 : i32
        %get3A_831 = arith.index_cast %add3A_830 : i32 to index
        %get3A_832 = arith.constant 0 : index
        %get3A_833 = tpu.vector_load %arg9[%get3A_831, %get3A_832] {strides = array<i32>} : memref<672x64xf32, #tpu.memory_space<vmem>>, vector<1x16xf32>,
        %get3A_834 = vector.shape_cast %get3A_833 : vector<1x16xf32> to vector<16xf32>
        %mul3A_835 = arith.mulf %get3A_834, %add3A_712 : vector<16xf32>
        %mul3A_836 = arith.constant 21 : i32
        %mul3A_837 = arith.muli %scan3A_32, %mul3A_836 : i32
        %add3A_838 = arith.constant 2 : i32
        %add3A_839 = arith.addi %mul3A_837, %add3A_838 : i32
        %get3A_840 = arith.index_cast %add3A_839 : i32 to index
        %get3A_841 = arith.constant 16 : index
        %get3A_842 = tpu.vector_load %arg9[%get3A_840, %get3A_841] {strides = array<i32>} : memref<672x64xf32, #tpu.memory_space<vmem>>, vector<1x16xf32>,
        %get3A_843 = vector.shape_cast %get3A_842 : vector<1x16xf32> to vector<16xf32>
        %mul3A_844 = arith.mulf %get3A_843, %add3A_721 : vector<16xf32>
        %add3A_845 = arith.addf %mul3A_835, %mul3A_844 : vector<16xf32>
        %mul3A_846 = arith.constant 21 : i32
        %mul3A_847 = arith.muli %scan3A_32, %mul3A_846 : i32
        %add3A_848 = arith.constant 2 : i32
        %add3A_849 = arith.addi %mul3A_847, %add3A_848 : i32
        %get3A_850 = arith.index_cast %add3A_849 : i32 to index
        %get3A_851 = arith.constant 32 : index
        %get3A_852 = tpu.vector_load %arg9[%get3A_850, %get3A_851] {strides = array<i32>} : memref<672x64xf32, #tpu.memory_space<vmem>>, vector<1x16xf32>,
        %get3A_853 = vector.shape_cast %get3A_852 : vector<1x16xf32> to vector<16xf32>
        %mul3A_854 = arith.mulf %get3A_853, %add3A_730 : vector<16xf32>
        %add3A_855 = arith.addf %add3A_845, %mul3A_854 : vector<16xf32>
        %mul3A_856 = arith.constant 21 : i32
        %mul3A_857 = arith.muli %scan3A_32, %mul3A_856 : i32
        %add3A_858 = arith.constant 2 : i32
        %add3A_859 = arith.addi %mul3A_857, %add3A_858 : i32
        %get3A_860 = arith.index_cast %add3A_859 : i32 to index
        %get3A_861 = arith.constant 48 : index
        %get3A_862 = tpu.vector_load %arg9[%get3A_860, %get3A_861] {strides = array<i32>} : memref<672x64xf32, #tpu.memory_space<vmem>>, vector<1x16xf32>,
        %get3A_863 = vector.shape_cast %get3A_862 : vector<1x16xf32> to vector<16xf32>
        %mul3A_864 = arith.mulf %get3A_863, %add3A_739 : vector<16xf32>
        %add3A_865 = arith.addf %add3A_855, %mul3A_864 : vector<16xf32>
        %swap3A_866 = arith.index_cast %scan3A_32 : i32 to index
        %swap3A_867 = arith.constant 32 : index
        %swap3A_868 = tpu.vector_load %arg11[%swap3A_866, %swap3A_867] {strides = array<i32>} : memref<32x336xf32, #tpu.memory_space<vmem>>, vector<1x16xf32>,
        %swap3A_869 = vector.shape_cast %swap3A_868 : vector<1x16xf32> to vector<16xf32>
        %swap3A_870 = vector.shape_cast %add3A_865 : vector<16xf32> to vector<1x16xf32>
        tpu.vector_store %arg11[%swap3A_866, %swap3A_867], %swap3A_870 {strides = array<i32>} : memref<32x336xf32, #tpu.memory_space<vmem>>, vector<1x16xf32>,
        %mul3A_871 = arith.constant 21 : i32
        %mul3A_872 = arith.muli %scan3A_32, %mul3A_871 : i32
        %add3A_873 = arith.constant 3 : i32
        %add3A_874 = arith.addi %mul3A_872, %add3A_873 : i32
        %get3A_875 = arith.index_cast %add3A_874 : i32 to index
        %get3A_876 = arith.constant 0 : index
        %get3A_877 = tpu.vector_load %arg9[%get3A_875, %get3A_876] {strides = array<i32>} : memref<672x64xf32, #tpu.memory_space<vmem>>, vector<1x16xf32>,
        %get3A_878 = vector.shape_cast %get3A_877 : vector<1x16xf32> to vector<16xf32>
        %mul3A_879 = arith.mulf %get3A_878, %add3A_712 : vector<16xf32>
        %mul3A_880 = arith.constant 21 : i32
        %mul3A_881 = arith.muli %scan3A_32, %mul3A_880 : i32
        %add3A_882 = arith.constant 3 : i32
        %add3A_883 = arith.addi %mul3A_881, %add3A_882 : i32
        %get3A_884 = arith.index_cast %add3A_883 : i32 to index
        %get3A_885 = arith.constant 16 : index
        %get3A_886 = tpu.vector_load %arg9[%get3A_884, %get3A_885] {strides = array<i32>} : memref<672x64xf32, #tpu.memory_space<vmem>>, vector<1x16xf32>,
        %get3A_887 = vector.shape_cast %get3A_886 : vector<1x16xf32> to vector<16xf32>
        %mul3A_888 = arith.mulf %get3A_887, %add3A_721 : vector<16xf32>
        %add3A_889 = arith.addf %mul3A_879, %mul3A_888 : vector<16xf32>
        %mul3A_890 = arith.constant 21 : i32
        %mul3A_891 = arith.muli %scan3A_32, %mul3A_890 : i32
        %add3A_892 = arith.constant 3 : i32
        %add3A_893 = arith.addi %mul3A_891, %add3A_892 : i32
        %get3A_894 = arith.index_cast %add3A_893 : i32 to index
        %get3A_895 = arith.constant 32 : index
        %get3A_896 = tpu.vector_load %arg9[%get3A_894, %get3A_895] {strides = array<i32>} : memref<672x64xf32, #tpu.memory_space<vmem>>, vector<1x16xf32>,
        %get3A_897 = vector.shape_cast %get3A_896 : vector<1x16xf32> to vector<16xf32>
        %mul3A_898 = arith.mulf %get3A_897, %add3A_730 : vector<16xf32>
        %add3A_899 = arith.addf %add3A_889, %mul3A_898 : vector<16xf32>
        %mul3A_900 = arith.constant 21 : i32
        %mul3A_901 = arith.muli %scan3A_32, %mul3A_900 : i32
        %add3A_902 = arith.constant 3 : i32
        %add3A_903 = arith.addi %mul3A_901, %add3A_902 : i32
        %get3A_904 = arith.index_cast %add3A_903 : i32 to index
        %get3A_905 = arith.constant 48 : index
        %get3A_906 = tpu.vector_load %arg9[%get3A_904, %get3A_905] {strides = array<i32>} : memref<672x64xf32, #tpu.memory_space<vmem>>, vector<1x16xf32>,
        %get3A_907 = vector.shape_cast %get3A_906 : vector<1x16xf32> to vector<16xf32>
        %mul3A_908 = arith.mulf %get3A_907, %add3A_739 : vector<16xf32>
        %add3A_909 = arith.addf %add3A_899, %mul3A_908 : vector<16xf32>
        %swap3A_910 = arith.index_cast %scan3A_32 : i32 to index
        %swap3A_911 = arith.constant 48 : index
        %swap3A_912 = tpu.vector_load %arg11[%swap3A_910, %swap3A_911] {strides = array<i32>} : memref<32x336xf32, #tpu.memory_space<vmem>>, vector<1x16xf32>,
        %swap3A_913 = vector.shape_cast %swap3A_912 : vector<1x16xf32> to vector<16xf32>
        %swap3A_914 = vector.shape_cast %add3A_909 : vector<16xf32> to vector<1x16xf32>
        tpu.vector_store %arg11[%swap3A_910, %swap3A_911], %swap3A_914 {strides = array<i32>} : memref<32x336xf32, #tpu.memory_space<vmem>>, vector<1x16xf32>,
        %mul3A_915 = arith.constant 21 : i32
        %mul3A_916 = arith.muli %scan3A_32, %mul3A_915 : i32
        %add3A_917 = arith.constant 4 : i32
        %add3A_918 = arith.addi %mul3A_916, %add3A_917 : i32
        %get3A_919 = arith.index_cast %add3A_918 : i32 to index
        %get3A_920 = arith.constant 0 : index
        %get3A_921 = tpu.vector_load %arg9[%get3A_919, %get3A_920] {strides = array<i32>} : memref<672x64xf32, #tpu.memory_space<vmem>>, vector<1x16xf32>,
        %get3A_922 = vector.shape_cast %get3A_921 : vector<1x16xf32> to vector<16xf32>
        %mul3A_923 = arith.mulf %get3A_922, %add3A_712 : vector<16xf32>
        %mul3A_924 = arith.constant 21 : i32
        %mul3A_925 = arith.muli %scan3A_32, %mul3A_924 : i32
        %add3A_926 = arith.constant 4 : i32
        %add3A_927 = arith.addi %mul3A_925, %add3A_926 : i32
        %get3A_928 = arith.index_cast %add3A_927 : i32 to index
        %get3A_929 = arith.constant 16 : index
        %get3A_930 = tpu.vector_load %arg9[%get3A_928, %get3A_929] {strides = array<i32>} : memref<672x64xf32, #tpu.memory_space<vmem>>, vector<1x16xf32>,
        %get3A_931 = vector.shape_cast %get3A_930 : vector<1x16xf32> to vector<16xf32>
        %mul3A_932 = arith.mulf %get3A_931, %add3A_721 : vector<16xf32>
        %add3A_933 = arith.addf %mul3A_923, %mul3A_932 : vector<16xf32>
        %mul3A_934 = arith.constant 21 : i32
        %mul3A_935 = arith.muli %scan3A_32, %mul3A_934 : i32
        %add3A_936 = arith.constant 4 : i32
        %add3A_937 = arith.addi %mul3A_935, %add3A_936 : i32
        %get3A_938 = arith.index_cast %add3A_937 : i32 to index
        %get3A_939 = arith.constant 32 : index
        %get3A_940 = tpu.vector_load %arg9[%get3A_938, %get3A_939] {strides = array<i32>} : memref<672x64xf32, #tpu.memory_space<vmem>>, vector<1x16xf32>,
        %get3A_941 = vector.shape_cast %get3A_940 : vector<1x16xf32> to vector<16xf32>
        %mul3A_942 = arith.mulf %get3A_941, %add3A_730 : vector<16xf32>
        %add3A_943 = arith.addf %add3A_933, %mul3A_942 : vector<16xf32>
        %mul3A_944 = arith.constant 21 : i32
        %mul3A_945 = arith.muli %scan3A_32, %mul3A_944 : i32
        %add3A_946 = arith.constant 4 : i32
        %add3A_947 = arith.addi %mul3A_945, %add3A_946 : i32
        %get3A_948 = arith.index_cast %add3A_947 : i32 to index
        %get3A_949 = arith.constant 48 : index
        %get3A_950 = tpu.vector_load %arg9[%get3A_948, %get3A_949] {strides = array<i32>} : memref<672x64xf32, #tpu.memory_space<vmem>>, vector<1x16xf32>,
        %get3A_951 = vector.shape_cast %get3A_950 : vector<1x16xf32> to vector<16xf32>
        %mul3A_952 = arith.mulf %get3A_951, %add3A_739 : vector<16xf32>
        %add3A_953 = arith.addf %add3A_943, %mul3A_952 : vector<16xf32>
        %swap3A_954 = arith.index_cast %scan3A_32 : i32 to index
        %swap3A_955 = arith.constant 64 : index
        %swap3A_956 = tpu.vector_load %arg11[%swap3A_954, %swap3A_955] {strides = array<i32>} : memref<32x336xf32, #tpu.memory_space<vmem>>, vector<1x16xf32>,
        %swap3A_957 = vector.shape_cast %swap3A_956 : vector<1x16xf32> to vector<16xf32>
        %swap3A_958 = vector.shape_cast %add3A_953 : vector<16xf32> to vector<1x16xf32>
        tpu.vector_store %arg11[%swap3A_954, %swap3A_955], %swap3A_958 {strides = array<i32>} : memref<32x336xf32, #tpu.memory_space<vmem>>, vector<1x16xf32>,
        %mul3A_959 = arith.constant 21 : i32
        %mul3A_960 = arith.muli %scan3A_32, %mul3A_959 : i32
        %add3A_961 = arith.constant 5 : i32
        %add3A_962 = arith.addi %mul3A_960, %add3A_961 : i32
        %get3A_963 = arith.index_cast %add3A_962 : i32 to index
        %get3A_964 = arith.constant 0 : index
        %get3A_965 = tpu.vector_load %arg9[%get3A_963, %get3A_964] {strides = array<i32>} : memref<672x64xf32, #tpu.memory_space<vmem>>, vector<1x16xf32>,
        %get3A_966 = vector.shape_cast %get3A_965 : vector<1x16xf32> to vector<16xf32>
        %mul3A_967 = arith.mulf %get3A_966, %add3A_712 : vector<16xf32>
        %mul3A_968 = arith.constant 21 : i32
        %mul3A_969 = arith.muli %scan3A_32, %mul3A_968 : i32
        %add3A_970 = arith.constant 5 : i32
        %add3A_971 = arith.addi %mul3A_969, %add3A_970 : i32
        %get3A_972 = arith.index_cast %add3A_971 : i32 to index
        %get3A_973 = arith.constant 16 : index
        %get3A_974 = tpu.vector_load %arg9[%get3A_972, %get3A_973] {strides = array<i32>} : memref<672x64xf32, #tpu.memory_space<vmem>>, vector<1x16xf32>,
        %get3A_975 = vector.shape_cast %get3A_974 : vector<1x16xf32> to vector<16xf32>
        %mul3A_976 = arith.mulf %get3A_975, %add3A_721 : vector<16xf32>
        %add3A_977 = arith.addf %mul3A_967, %mul3A_976 : vector<16xf32>
        %mul3A_978 = arith.constant 21 : i32
        %mul3A_979 = arith.muli %scan3A_32, %mul3A_978 : i32
        %add3A_980 = arith.constant 5 : i32
        %add3A_981 = arith.addi %mul3A_979, %add3A_980 : i32
        %get3A_982 = arith.index_cast %add3A_981 : i32 to index
        %get3A_983 = arith.constant 32 : index
        %get3A_984 = tpu.vector_load %arg9[%get3A_982, %get3A_983] {strides = array<i32>} : memref<672x64xf32, #tpu.memory_space<vmem>>, vector<1x16xf32>,
        %get3A_985 = vector.shape_cast %get3A_984 : vector<1x16xf32> to vector<16xf32>
        %mul3A_986 = arith.mulf %get3A_985, %add3A_730 : vector<16xf32>
        %add3A_987 = arith.addf %add3A_977, %mul3A_986 : vector<16xf32>
        %mul3A_988 = arith.constant 21 : i32
        %mul3A_989 = arith.muli %scan3A_32, %mul3A_988 : i32
        %add3A_990 = arith.constant 5 : i32
        %add3A_991 = arith.addi %mul3A_989, %add3A_990 : i32
        %get3A_992 = arith.index_cast %add3A_991 : i32 to index
        %get3A_993 = arith.constant 48 : index
        %get3A_994 = tpu.vector_load %arg9[%get3A_992, %get3A_993] {strides = array<i32>} : memref<672x64xf32, #tpu.memory_space<vmem>>, vector<1x16xf32>,
        %get3A_995 = vector.shape_cast %get3A_994 : vector<1x16xf32> to vector<16xf32>
        %mul3A_996 = arith.mulf %get3A_995, %add3A_739 : vector<16xf32>
        %add3A_997 = arith.addf %add3A_987, %mul3A_996 : vector<16xf32>
        %swap3A_998 = arith.index_cast %scan3A_32 : i32 to index
        %swap3A_999 = arith.constant 80 : index
        %swap3A_1000 = tpu.vector_load %arg11[%swap3A_998, %swap3A_999] {strides = array<i32>} : memref<32x336xf32, #tpu.memory_space<vmem>>, vector<1x16xf32>,
        %swap3A_1001 = vector.shape_cast %swap3A_1000 : vector<1x16xf32> to vector<16xf32>
        %swap3A_1002 = vector.shape_cast %add3A_997 : vector<16xf32> to vector<1x16xf32>
        tpu.vector_store %arg11[%swap3A_998, %swap3A_999], %swap3A_1002 {strides = array<i32>} : memref<32x336xf32, #tpu.memory_space<vmem>>, vector<1x16xf32>,
        %mul3A_1003 = arith.constant 21 : i32
        %mul3A_1004 = arith.muli %scan3A_32, %mul3A_1003 : i32
        %add3A_1005 = arith.constant 6 : i32
        %add3A_1006 = arith.addi %mul3A_1004, %add3A_1005 : i32
        %get3A_1007 = arith.index_cast %add3A_1006 : i32 to index
        %get3A_1008 = arith.constant 0 : index
        %get3A_1009 = tpu.vector_load %arg9[%get3A_1007, %get3A_1008] {strides = array<i32>} : memref<672x64xf32, #tpu.memory_space<vmem>>, vector<1x16xf32>,
        %get3A_1010 = vector.shape_cast %get3A_1009 : vector<1x16xf32> to vector<16xf32>
        %mul3A_1011 = arith.mulf %get3A_1010, %add3A_712 : vector<16xf32>
        %mul3A_1012 = arith.constant 21 : i32
        %mul3A_1013 = arith.muli %scan3A_32, %mul3A_1012 : i32
        %add3A_1014 = arith.constant 6 : i32
        %add3A_1015 = arith.addi %mul3A_1013, %add3A_1014 : i32
        %get3A_1016 = arith.index_cast %add3A_1015 : i32 to index
        %get3A_1017 = arith.constant 16 : index
        %get3A_1018 = tpu.vector_load %arg9[%get3A_1016, %get3A_1017] {strides = array<i32>} : memref<672x64xf32, #tpu.memory_space<vmem>>, vector<1x16xf32>,
        %get3A_1019 = vector.shape_cast %get3A_1018 : vector<1x16xf32> to vector<16xf32>
        %mul3A_1020 = arith.mulf %get3A_1019, %add3A_721 : vector<16xf32>
        %add3A_1021 = arith.addf %mul3A_1011, %mul3A_1020 : vector<16xf32>
        %mul3A_1022 = arith.constant 21 : i32
        %mul3A_1023 = arith.muli %scan3A_32, %mul3A_1022 : i32
        %add3A_1024 = arith.constant 6 : i32
        %add3A_1025 = arith.addi %mul3A_1023, %add3A_1024 : i32
        %get3A_1026 = arith.index_cast %add3A_1025 : i32 to index
        %get3A_1027 = arith.constant 32 : index
        %get3A_1028 = tpu.vector_load %arg9[%get3A_1026, %get3A_1027] {strides = array<i32>} : memref<672x64xf32, #tpu.memory_space<vmem>>, vector<1x16xf32>,
        %get3A_1029 = vector.shape_cast %get3A_1028 : vector<1x16xf32> to vector<16xf32>
        %mul3A_1030 = arith.mulf %get3A_1029, %add3A_730 : vector<16xf32>
        %add3A_1031 = arith.addf %add3A_1021, %mul3A_1030 : vector<16xf32>
        %mul3A_1032 = arith.constant 21 : i32
        %mul3A_1033 = arith.muli %scan3A_32, %mul3A_1032 : i32
        %add3A_1034 = arith.constant 6 : i32
        %add3A_1035 = arith.addi %mul3A_1033, %add3A_1034 : i32
        %get3A_1036 = arith.index_cast %add3A_1035 : i32 to index
        %get3A_1037 = arith.constant 48 : index
        %get3A_1038 = tpu.vector_load %arg9[%get3A_1036, %get3A_1037] {strides = array<i32>} : memref<672x64xf32, #tpu.memory_space<vmem>>, vector<1x16xf32>,
        %get3A_1039 = vector.shape_cast %get3A_1038 : vector<1x16xf32> to vector<16xf32>
        %mul3A_1040 = arith.mulf %get3A_1039, %add3A_739 : vector<16xf32>
        %add3A_1041 = arith.addf %add3A_1031, %mul3A_1040 : vector<16xf32>
        %swap3A_1042 = arith.index_cast %scan3A_32 : i32 to index
        %swap3A_1043 = arith.constant 96 : index
        %swap3A_1044 = tpu.vector_load %arg11[%swap3A_1042, %swap3A_1043] {strides = array<i32>} : memref<32x336xf32, #tpu.memory_space<vmem>>, vector<1x16xf32>,
        %swap3A_1045 = vector.shape_cast %swap3A_1044 : vector<1x16xf32> to vector<16xf32>
        %swap3A_1046 = vector.shape_cast %add3A_1041 : vector<16xf32> to vector<1x16xf32>
        tpu.vector_store %arg11[%swap3A_1042, %swap3A_1043], %swap3A_1046 {strides = array<i32>} : memref<32x336xf32, #tpu.memory_space<vmem>>, vector<1x16xf32>,
        %mul3A_1047 = arith.constant 21 : i32
        %mul3A_1048 = arith.muli %scan3A_32, %mul3A_1047 : i32
        %add3A_1049 = arith.constant 7 : i32
        %add3A_1050 = arith.addi %mul3A_1048, %add3A_1049 : i32
        %get3A_1051 = arith.index_cast %add3A_1050 : i32 to index
        %get3A_1052 = arith.constant 0 : index
        %get3A_1053 = tpu.vector_load %arg9[%get3A_1051, %get3A_1052] {strides = array<i32>} : memref<672x64xf32, #tpu.memory_space<vmem>>, vector<1x16xf32>,
        %get3A_1054 = vector.shape_cast %get3A_1053 : vector<1x16xf32> to vector<16xf32>
        %mul3A_1055 = arith.mulf %get3A_1054, %add3A_712 : vector<16xf32>
        %mul3A_1056 = arith.constant 21 : i32
        %mul3A_1057 = arith.muli %scan3A_32, %mul3A_1056 : i32
        %add3A_1058 = arith.constant 7 : i32
        %add3A_1059 = arith.addi %mul3A_1057, %add3A_1058 : i32
        %get3A_1060 = arith.index_cast %add3A_1059 : i32 to index
        %get3A_1061 = arith.constant 16 : index
        %get3A_1062 = tpu.vector_load %arg9[%get3A_1060, %get3A_1061] {strides = array<i32>} : memref<672x64xf32, #tpu.memory_space<vmem>>, vector<1x16xf32>,
        %get3A_1063 = vector.shape_cast %get3A_1062 : vector<1x16xf32> to vector<16xf32>
        %mul3A_1064 = arith.mulf %get3A_1063, %add3A_721 : vector<16xf32>
        %add3A_1065 = arith.addf %mul3A_1055, %mul3A_1064 : vector<16xf32>
        %mul3A_1066 = arith.constant 21 : i32
        %mul3A_1067 = arith.muli %scan3A_32, %mul3A_1066 : i32
        %add3A_1068 = arith.constant 7 : i32
        %add3A_1069 = arith.addi %mul3A_1067, %add3A_1068 : i32
        %get3A_1070 = arith.index_cast %add3A_1069 : i32 to index
        %get3A_1071 = arith.constant 32 : index
        %get3A_1072 = tpu.vector_load %arg9[%get3A_1070, %get3A_1071] {strides = array<i32>} : memref<672x64xf32, #tpu.memory_space<vmem>>, vector<1x16xf32>,
        %get3A_1073 = vector.shape_cast %get3A_1072 : vector<1x16xf32> to vector<16xf32>
        %mul3A_1074 = arith.mulf %get3A_1073, %add3A_730 : vector<16xf32>
        %add3A_1075 = arith.addf %add3A_1065, %mul3A_1074 : vector<16xf32>
        %mul3A_1076 = arith.constant 21 : i32
        %mul3A_1077 = arith.muli %scan3A_32, %mul3A_1076 : i32
        %add3A_1078 = arith.constant 7 : i32
        %add3A_1079 = arith.addi %mul3A_1077, %add3A_1078 : i32
        %get3A_1080 = arith.index_cast %add3A_1079 : i32 to index
        %get3A_1081 = arith.constant 48 : index
        %get3A_1082 = tpu.vector_load %arg9[%get3A_1080, %get3A_1081] {strides = array<i32>} : memref<672x64xf32, #tpu.memory_space<vmem>>, vector<1x16xf32>,
        %get3A_1083 = vector.shape_cast %get3A_1082 : vector<1x16xf32> to vector<16xf32>
        %mul3A_1084 = arith.mulf %get3A_1083, %add3A_739 : vector<16xf32>
        %add3A_1085 = arith.addf %add3A_1075, %mul3A_1084 : vector<16xf32>
        %swap3A_1086 = arith.index_cast %scan3A_32 : i32 to index
        %swap3A_1087 = arith.constant 112 : index
        %swap3A_1088 = tpu.vector_load %arg11[%swap3A_1086, %swap3A_1087] {strides = array<i32>} : memref<32x336xf32, #tpu.memory_space<vmem>>, vector<1x16xf32>,
        %swap3A_1089 = vector.shape_cast %swap3A_1088 : vector<1x16xf32> to vector<16xf32>
        %swap3A_1090 = vector.shape_cast %add3A_1085 : vector<16xf32> to vector<1x16xf32>
        tpu.vector_store %arg11[%swap3A_1086, %swap3A_1087], %swap3A_1090 {strides = array<i32>} : memref<32x336xf32, #tpu.memory_space<vmem>>, vector<1x16xf32>,
        %mul3A_1091 = arith.constant 21 : i32
        %mul3A_1092 = arith.muli %scan3A_32, %mul3A_1091 : i32
        %add3A_1093 = arith.constant 8 : i32
        %add3A_1094 = arith.addi %mul3A_1092, %add3A_1093 : i32
        %get3A_1095 = arith.index_cast %add3A_1094 : i32 to index
        %get3A_1096 = arith.constant 0 : index
        %get3A_1097 = tpu.vector_load %arg9[%get3A_1095, %get3A_1096] {strides = array<i32>} : memref<672x64xf32, #tpu.memory_space<vmem>>, vector<1x16xf32>,
        %get3A_1098 = vector.shape_cast %get3A_1097 : vector<1x16xf32> to vector<16xf32>
        %mul3A_1099 = arith.mulf %get3A_1098, %add3A_712 : vector<16xf32>
        %mul3A_1100 = arith.constant 21 : i32
        %mul3A_1101 = arith.muli %scan3A_32, %mul3A_1100 : i32
        %add3A_1102 = arith.constant 8 : i32
        %add3A_1103 = arith.addi %mul3A_1101, %add3A_1102 : i32
        %get3A_1104 = arith.index_cast %add3A_1103 : i32 to index
        %get3A_1105 = arith.constant 16 : index
        %get3A_1106 = tpu.vector_load %arg9[%get3A_1104, %get3A_1105] {strides = array<i32>} : memref<672x64xf32, #tpu.memory_space<vmem>>, vector<1x16xf32>,
        %get3A_1107 = vector.shape_cast %get3A_1106 : vector<1x16xf32> to vector<16xf32>
        %mul3A_1108 = arith.mulf %get3A_1107, %add3A_721 : vector<16xf32>
        %add3A_1109 = arith.addf %mul3A_1099, %mul3A_1108 : vector<16xf32>
        %mul3A_1110 = arith.constant 21 : i32
        %mul3A_1111 = arith.muli %scan3A_32, %mul3A_1110 : i32
        %add3A_1112 = arith.constant 8 : i32
        %add3A_1113 = arith.addi %mul3A_1111, %add3A_1112 : i32
        %get3A_1114 = arith.index_cast %add3A_1113 : i32 to index
        %get3A_1115 = arith.constant 32 : index
        %get3A_1116 = tpu.vector_load %arg9[%get3A_1114, %get3A_1115] {strides = array<i32>} : memref<672x64xf32, #tpu.memory_space<vmem>>, vector<1x16xf32>,
        %get3A_1117 = vector.shape_cast %get3A_1116 : vector<1x16xf32> to vector<16xf32>
        %mul3A_1118 = arith.mulf %get3A_1117, %add3A_730 : vector<16xf32>
        %add3A_1119 = arith.addf %add3A_1109, %mul3A_1118 : vector<16xf32>
        %mul3A_1120 = arith.constant 21 : i32
        %mul3A_1121 = arith.muli %scan3A_32, %mul3A_1120 : i32
        %add3A_1122 = arith.constant 8 : i32
        %add3A_1123 = arith.addi %mul3A_1121, %add3A_1122 : i32
        %get3A_1124 = arith.index_cast %add3A_1123 : i32 to index
        %get3A_1125 = arith.constant 48 : index
        %get3A_1126 = tpu.vector_load %arg9[%get3A_1124, %get3A_1125] {strides = array<i32>} : memref<672x64xf32, #tpu.memory_space<vmem>>, vector<1x16xf32>,
        %get3A_1127 = vector.shape_cast %get3A_1126 : vector<1x16xf32> to vector<16xf32>
        %mul3A_1128 = arith.mulf %get3A_1127, %add3A_739 : vector<16xf32>
        %add3A_1129 = arith.addf %add3A_1119, %mul3A_1128 : vector<16xf32>
        %swap3A_1130 = arith.index_cast %scan3A_32 : i32 to index
        %swap3A_1131 = arith.constant 128 : index
        %swap3A_1132 = tpu.vector_load %arg11[%swap3A_1130, %swap3A_1131] {strides = array<i32>} : memref<32x336xf32, #tpu.memory_space<vmem>>, vector<1x16xf32>,
        %swap3A_1133 = vector.shape_cast %swap3A_1132 : vector<1x16xf32> to vector<16xf32>
        %swap3A_1134 = vector.shape_cast %add3A_1129 : vector<16xf32> to vector<1x16xf32>
        tpu.vector_store %arg11[%swap3A_1130, %swap3A_1131], %swap3A_1134 {strides = array<i32>} : memref<32x336xf32, #tpu.memory_space<vmem>>, vector<1x16xf32>,
        %mul3A_1135 = arith.constant 21 : i32
        %mul3A_1136 = arith.muli %scan3A_32, %mul3A_1135 : i32
        %add3A_1137 = arith.constant 9 : i32
        %add3A_1138 = arith.addi %mul3A_1136, %add3A_1137 : i32
        %get3A_1139 = arith.index_cast %add3A_1138 : i32 to index
        %get3A_1140 = arith.constant 0 : index
        %get3A_1141 = tpu.vector_load %arg9[%get3A_1139, %get3A_1140] {strides = array<i32>} : memref<672x64xf32, #tpu.memory_space<vmem>>, vector<1x16xf32>,
        %get3A_1142 = vector.shape_cast %get3A_1141 : vector<1x16xf32> to vector<16xf32>
        %mul3A_1143 = arith.mulf %get3A_1142, %add3A_712 : vector<16xf32>
        %mul3A_1144 = arith.constant 21 : i32
        %mul3A_1145 = arith.muli %scan3A_32, %mul3A_1144 : i32
        %add3A_1146 = arith.constant 9 : i32
        %add3A_1147 = arith.addi %mul3A_1145, %add3A_1146 : i32
        %get3A_1148 = arith.index_cast %add3A_1147 : i32 to index
        %get3A_1149 = arith.constant 16 : index
        %get3A_1150 = tpu.vector_load %arg9[%get3A_1148, %get3A_1149] {strides = array<i32>} : memref<672x64xf32, #tpu.memory_space<vmem>>, vector<1x16xf32>,
        %get3A_1151 = vector.shape_cast %get3A_1150 : vector<1x16xf32> to vector<16xf32>
        %mul3A_1152 = arith.mulf %get3A_1151, %add3A_721 : vector<16xf32>
        %add3A_1153 = arith.addf %mul3A_1143, %mul3A_1152 : vector<16xf32>
        %mul3A_1154 = arith.constant 21 : i32
        %mul3A_1155 = arith.muli %scan3A_32, %mul3A_1154 : i32
        %add3A_1156 = arith.constant 9 : i32
        %add3A_1157 = arith.addi %mul3A_1155, %add3A_1156 : i32
        %get3A_1158 = arith.index_cast %add3A_1157 : i32 to index
        %get3A_1159 = arith.constant 32 : index
        %get3A_1160 = tpu.vector_load %arg9[%get3A_1158, %get3A_1159] {strides = array<i32>} : memref<672x64xf32, #tpu.memory_space<vmem>>, vector<1x16xf32>,
        %get3A_1161 = vector.shape_cast %get3A_1160 : vector<1x16xf32> to vector<16xf32>
        %mul3A_1162 = arith.mulf %get3A_1161, %add3A_730 : vector<16xf32>
        %add3A_1163 = arith.addf %add3A_1153, %mul3A_1162 : vector<16xf32>
        %mul3A_1164 = arith.constant 21 : i32
        %mul3A_1165 = arith.muli %scan3A_32, %mul3A_1164 : i32
        %add3A_1166 = arith.constant 9 : i32
        %add3A_1167 = arith.addi %mul3A_1165, %add3A_1166 : i32
        %get3A_1168 = arith.index_cast %add3A_1167 : i32 to index
        %get3A_1169 = arith.constant 48 : index
        %get3A_1170 = tpu.vector_load %arg9[%get3A_1168, %get3A_1169] {strides = array<i32>} : memref<672x64xf32, #tpu.memory_space<vmem>>, vector<1x16xf32>,
        %get3A_1171 = vector.shape_cast %get3A_1170 : vector<1x16xf32> to vector<16xf32>
        %mul3A_1172 = arith.mulf %get3A_1171, %add3A_739 : vector<16xf32>
        %add3A_1173 = arith.addf %add3A_1163, %mul3A_1172 : vector<16xf32>
        %swap3A_1174 = arith.index_cast %scan3A_32 : i32 to index
        %swap3A_1175 = arith.constant 144 : index
        %swap3A_1176 = tpu.vector_load %arg11[%swap3A_1174, %swap3A_1175] {strides = array<i32>} : memref<32x336xf32, #tpu.memory_space<vmem>>, vector<1x16xf32>,
        %swap3A_1177 = vector.shape_cast %swap3A_1176 : vector<1x16xf32> to vector<16xf32>
        %swap3A_1178 = vector.shape_cast %add3A_1173 : vector<16xf32> to vector<1x16xf32>
        tpu.vector_store %arg11[%swap3A_1174, %swap3A_1175], %swap3A_1178 {strides = array<i32>} : memref<32x336xf32, #tpu.memory_space<vmem>>, vector<1x16xf32>,
        %mul3A_1179 = arith.constant 21 : i32
        %mul3A_1180 = arith.muli %scan3A_32, %mul3A_1179 : i32
        %add3A_1181 = arith.constant 10 : i32
        %add3A_1182 = arith.addi %mul3A_1180, %add3A_1181 : i32
        %get3A_1183 = arith.index_cast %add3A_1182 : i32 to index
        %get3A_1184 = arith.constant 0 : index
        %get3A_1185 = tpu.vector_load %arg9[%get3A_1183, %get3A_1184] {strides = array<i32>} : memref<672x64xf32, #tpu.memory_space<vmem>>, vector<1x16xf32>,
        %get3A_1186 = vector.shape_cast %get3A_1185 : vector<1x16xf32> to vector<16xf32>
        %mul3A_1187 = arith.mulf %get3A_1186, %add3A_712 : vector<16xf32>
        %mul3A_1188 = arith.constant 21 : i32
        %mul3A_1189 = arith.muli %scan3A_32, %mul3A_1188 : i32
        %add3A_1190 = arith.constant 10 : i32
        %add3A_1191 = arith.addi %mul3A_1189, %add3A_1190 : i32
        %get3A_1192 = arith.index_cast %add3A_1191 : i32 to index
        %get3A_1193 = arith.constant 16 : index
        %get3A_1194 = tpu.vector_load %arg9[%get3A_1192, %get3A_1193] {strides = array<i32>} : memref<672x64xf32, #tpu.memory_space<vmem>>, vector<1x16xf32>,
        %get3A_1195 = vector.shape_cast %get3A_1194 : vector<1x16xf32> to vector<16xf32>
        %mul3A_1196 = arith.mulf %get3A_1195, %add3A_721 : vector<16xf32>
        %add3A_1197 = arith.addf %mul3A_1187, %mul3A_1196 : vector<16xf32>
        %mul3A_1198 = arith.constant 21 : i32
        %mul3A_1199 = arith.muli %scan3A_32, %mul3A_1198 : i32
        %add3A_1200 = arith.constant 10 : i32
        %add3A_1201 = arith.addi %mul3A_1199, %add3A_1200 : i32
        %get3A_1202 = arith.index_cast %add3A_1201 : i32 to index
        %get3A_1203 = arith.constant 32 : index
        %get3A_1204 = tpu.vector_load %arg9[%get3A_1202, %get3A_1203] {strides = array<i32>} : memref<672x64xf32, #tpu.memory_space<vmem>>, vector<1x16xf32>,
        %get3A_1205 = vector.shape_cast %get3A_1204 : vector<1x16xf32> to vector<16xf32>
        %mul3A_1206 = arith.mulf %get3A_1205, %add3A_730 : vector<16xf32>
        %add3A_1207 = arith.addf %add3A_1197, %mul3A_1206 : vector<16xf32>
        %mul3A_1208 = arith.constant 21 : i32
        %mul3A_1209 = arith.muli %scan3A_32, %mul3A_1208 : i32
        %add3A_1210 = arith.constant 10 : i32
        %add3A_1211 = arith.addi %mul3A_1209, %add3A_1210 : i32
        %get3A_1212 = arith.index_cast %add3A_1211 : i32 to index
        %get3A_1213 = arith.constant 48 : index
        %get3A_1214 = tpu.vector_load %arg9[%get3A_1212, %get3A_1213] {strides = array<i32>} : memref<672x64xf32, #tpu.memory_space<vmem>>, vector<1x16xf32>,
        %get3A_1215 = vector.shape_cast %get3A_1214 : vector<1x16xf32> to vector<16xf32>
        %mul3A_1216 = arith.mulf %get3A_1215, %add3A_739 : vector<16xf32>
        %add3A_1217 = arith.addf %add3A_1207, %mul3A_1216 : vector<16xf32>
        %swap3A_1218 = arith.index_cast %scan3A_32 : i32 to index
        %swap3A_1219 = arith.constant 160 : index
        %swap3A_1220 = tpu.vector_load %arg11[%swap3A_1218, %swap3A_1219] {strides = array<i32>} : memref<32x336xf32, #tpu.memory_space<vmem>>, vector<1x16xf32>,
        %swap3A_1221 = vector.shape_cast %swap3A_1220 : vector<1x16xf32> to vector<16xf32>
        %swap3A_1222 = vector.shape_cast %add3A_1217 : vector<16xf32> to vector<1x16xf32>
        tpu.vector_store %arg11[%swap3A_1218, %swap3A_1219], %swap3A_1222 {strides = array<i32>} : memref<32x336xf32, #tpu.memory_space<vmem>>, vector<1x16xf32>,
        %mul3A_1223 = arith.constant 21 : i32
        %mul3A_1224 = arith.muli %scan3A_32, %mul3A_1223 : i32
        %add3A_1225 = arith.constant 11 : i32
        %add3A_1226 = arith.addi %mul3A_1224, %add3A_1225 : i32
        %get3A_1227 = arith.index_cast %add3A_1226 : i32 to index
        %get3A_1228 = arith.constant 0 : index
        %get3A_1229 = tpu.vector_load %arg9[%get3A_1227, %get3A_1228] {strides = array<i32>} : memref<672x64xf32, #tpu.memory_space<vmem>>, vector<1x16xf32>,
        %get3A_1230 = vector.shape_cast %get3A_1229 : vector<1x16xf32> to vector<16xf32>
        %mul3A_1231 = arith.mulf %get3A_1230, %add3A_712 : vector<16xf32>
        %mul3A_1232 = arith.constant 21 : i32
        %mul3A_1233 = arith.muli %scan3A_32, %mul3A_1232 : i32
        %add3A_1234 = arith.constant 11 : i32
        %add3A_1235 = arith.addi %mul3A_1233, %add3A_1234 : i32
        %get3A_1236 = arith.index_cast %add3A_1235 : i32 to index
        %get3A_1237 = arith.constant 16 : index
        %get3A_1238 = tpu.vector_load %arg9[%get3A_1236, %get3A_1237] {strides = array<i32>} : memref<672x64xf32, #tpu.memory_space<vmem>>, vector<1x16xf32>,
        %get3A_1239 = vector.shape_cast %get3A_1238 : vector<1x16xf32> to vector<16xf32>
        %mul3A_1240 = arith.mulf %get3A_1239, %add3A_721 : vector<16xf32>
        %add3A_1241 = arith.addf %mul3A_1231, %mul3A_1240 : vector<16xf32>
        %mul3A_1242 = arith.constant 21 : i32
        %mul3A_1243 = arith.muli %scan3A_32, %mul3A_1242 : i32
        %add3A_1244 = arith.constant 11 : i32
        %add3A_1245 = arith.addi %mul3A_1243, %add3A_1244 : i32
        %get3A_1246 = arith.index_cast %add3A_1245 : i32 to index
        %get3A_1247 = arith.constant 32 : index
        %get3A_1248 = tpu.vector_load %arg9[%get3A_1246, %get3A_1247] {strides = array<i32>} : memref<672x64xf32, #tpu.memory_space<vmem>>, vector<1x16xf32>,
        %get3A_1249 = vector.shape_cast %get3A_1248 : vector<1x16xf32> to vector<16xf32>
        %mul3A_1250 = arith.mulf %get3A_1249, %add3A_730 : vector<16xf32>
        %add3A_1251 = arith.addf %add3A_1241, %mul3A_1250 : vector<16xf32>
        %mul3A_1252 = arith.constant 21 : i32
        %mul3A_1253 = arith.muli %scan3A_32, %mul3A_1252 : i32
        %add3A_1254 = arith.constant 11 : i32
        %add3A_1255 = arith.addi %mul3A_1253, %add3A_1254 : i32
        %get3A_1256 = arith.index_cast %add3A_1255 : i32 to index
        %get3A_1257 = arith.constant 48 : index
        %get3A_1258 = tpu.vector_load %arg9[%get3A_1256, %get3A_1257] {strides = array<i32>} : memref<672x64xf32, #tpu.memory_space<vmem>>, vector<1x16xf32>,
        %get3A_1259 = vector.shape_cast %get3A_1258 : vector<1x16xf32> to vector<16xf32>
        %mul3A_1260 = arith.mulf %get3A_1259, %add3A_739 : vector<16xf32>
        %add3A_1261 = arith.addf %add3A_1251, %mul3A_1260 : vector<16xf32>
        %swap3A_1262 = arith.index_cast %scan3A_32 : i32 to index
        %swap3A_1263 = arith.constant 176 : index
        %swap3A_1264 = tpu.vector_load %arg11[%swap3A_1262, %swap3A_1263] {strides = array<i32>} : memref<32x336xf32, #tpu.memory_space<vmem>>, vector<1x16xf32>,
        %swap3A_1265 = vector.shape_cast %swap3A_1264 : vector<1x16xf32> to vector<16xf32>
        %swap3A_1266 = vector.shape_cast %add3A_1261 : vector<16xf32> to vector<1x16xf32>
        tpu.vector_store %arg11[%swap3A_1262, %swap3A_1263], %swap3A_1266 {strides = array<i32>} : memref<32x336xf32, #tpu.memory_space<vmem>>, vector<1x16xf32>,
        %mul3A_1267 = arith.constant 21 : i32
        %mul3A_1268 = arith.muli %scan3A_32, %mul3A_1267 : i32
        %add3A_1269 = arith.constant 12 : i32
        %add3A_1270 = arith.addi %mul3A_1268, %add3A_1269 : i32
        %get3A_1271 = arith.index_cast %add3A_1270 : i32 to index
        %get3A_1272 = arith.constant 0 : index
        %get3A_1273 = tpu.vector_load %arg9[%get3A_1271, %get3A_1272] {strides = array<i32>} : memref<672x64xf32, #tpu.memory_space<vmem>>, vector<1x16xf32>,
        %get3A_1274 = vector.shape_cast %get3A_1273 : vector<1x16xf32> to vector<16xf32>
        %mul3A_1275 = arith.mulf %get3A_1274, %add3A_712 : vector<16xf32>
        %mul3A_1276 = arith.constant 21 : i32
        %mul3A_1277 = arith.muli %scan3A_32, %mul3A_1276 : i32
        %add3A_1278 = arith.constant 12 : i32
        %add3A_1279 = arith.addi %mul3A_1277, %add3A_1278 : i32
        %get3A_1280 = arith.index_cast %add3A_1279 : i32 to index
        %get3A_1281 = arith.constant 16 : index
        %get3A_1282 = tpu.vector_load %arg9[%get3A_1280, %get3A_1281] {strides = array<i32>} : memref<672x64xf32, #tpu.memory_space<vmem>>, vector<1x16xf32>,
        %get3A_1283 = vector.shape_cast %get3A_1282 : vector<1x16xf32> to vector<16xf32>
        %mul3A_1284 = arith.mulf %get3A_1283, %add3A_721 : vector<16xf32>
        %add3A_1285 = arith.addf %mul3A_1275, %mul3A_1284 : vector<16xf32>
        %mul3A_1286 = arith.constant 21 : i32
        %mul3A_1287 = arith.muli %scan3A_32, %mul3A_1286 : i32
        %add3A_1288 = arith.constant 12 : i32
        %add3A_1289 = arith.addi %mul3A_1287, %add3A_1288 : i32
        %get3A_1290 = arith.index_cast %add3A_1289 : i32 to index
        %get3A_1291 = arith.constant 32 : index
        %get3A_1292 = tpu.vector_load %arg9[%get3A_1290, %get3A_1291] {strides = array<i32>} : memref<672x64xf32, #tpu.memory_space<vmem>>, vector<1x16xf32>,
        %get3A_1293 = vector.shape_cast %get3A_1292 : vector<1x16xf32> to vector<16xf32>
        %mul3A_1294 = arith.mulf %get3A_1293, %add3A_730 : vector<16xf32>
        %add3A_1295 = arith.addf %add3A_1285, %mul3A_1294 : vector<16xf32>
        %mul3A_1296 = arith.constant 21 : i32
        %mul3A_1297 = arith.muli %scan3A_32, %mul3A_1296 : i32
        %add3A_1298 = arith.constant 12 : i32
        %add3A_1299 = arith.addi %mul3A_1297, %add3A_1298 : i32
        %get3A_1300 = arith.index_cast %add3A_1299 : i32 to index
        %get3A_1301 = arith.constant 48 : index
        %get3A_1302 = tpu.vector_load %arg9[%get3A_1300, %get3A_1301] {strides = array<i32>} : memref<672x64xf32, #tpu.memory_space<vmem>>, vector<1x16xf32>,
        %get3A_1303 = vector.shape_cast %get3A_1302 : vector<1x16xf32> to vector<16xf32>
        %mul3A_1304 = arith.mulf %get3A_1303, %add3A_739 : vector<16xf32>
        %add3A_1305 = arith.addf %add3A_1295, %mul3A_1304 : vector<16xf32>
        %swap3A_1306 = arith.index_cast %scan3A_32 : i32 to index
        %swap3A_1307 = arith.constant 192 : index
        %swap3A_1308 = tpu.vector_load %arg11[%swap3A_1306, %swap3A_1307] {strides = array<i32>} : memref<32x336xf32, #tpu.memory_space<vmem>>, vector<1x16xf32>,
        %swap3A_1309 = vector.shape_cast %swap3A_1308 : vector<1x16xf32> to vector<16xf32>
        %swap3A_1310 = vector.shape_cast %add3A_1305 : vector<16xf32> to vector<1x16xf32>
        tpu.vector_store %arg11[%swap3A_1306, %swap3A_1307], %swap3A_1310 {strides = array<i32>} : memref<32x336xf32, #tpu.memory_space<vmem>>, vector<1x16xf32>,
        %mul3A_1311 = arith.constant 21 : i32
        %mul3A_1312 = arith.muli %scan3A_32, %mul3A_1311 : i32
        %add3A_1313 = arith.constant 13 : i32
        %add3A_1314 = arith.addi %mul3A_1312, %add3A_1313 : i32
        %get3A_1315 = arith.index_cast %add3A_1314 : i32 to index
        %get3A_1316 = arith.constant 0 : index
        %get3A_1317 = tpu.vector_load %arg9[%get3A_1315, %get3A_1316] {strides = array<i32>} : memref<672x64xf32, #tpu.memory_space<vmem>>, vector<1x16xf32>,
        %get3A_1318 = vector.shape_cast %get3A_1317 : vector<1x16xf32> to vector<16xf32>
        %mul3A_1319 = arith.mulf %get3A_1318, %add3A_712 : vector<16xf32>
        %mul3A_1320 = arith.constant 21 : i32
        %mul3A_1321 = arith.muli %scan3A_32, %mul3A_1320 : i32
        %add3A_1322 = arith.constant 13 : i32
        %add3A_1323 = arith.addi %mul3A_1321, %add3A_1322 : i32
        %get3A_1324 = arith.index_cast %add3A_1323 : i32 to index
        %get3A_1325 = arith.constant 16 : index
        %get3A_1326 = tpu.vector_load %arg9[%get3A_1324, %get3A_1325] {strides = array<i32>} : memref<672x64xf32, #tpu.memory_space<vmem>>, vector<1x16xf32>,
        %get3A_1327 = vector.shape_cast %get3A_1326 : vector<1x16xf32> to vector<16xf32>
        %mul3A_1328 = arith.mulf %get3A_1327, %add3A_721 : vector<16xf32>
        %add3A_1329 = arith.addf %mul3A_1319, %mul3A_1328 : vector<16xf32>
        %mul3A_1330 = arith.constant 21 : i32
        %mul3A_1331 = arith.muli %scan3A_32, %mul3A_1330 : i32
        %add3A_1332 = arith.constant 13 : i32
        %add3A_1333 = arith.addi %mul3A_1331, %add3A_1332 : i32
        %get3A_1334 = arith.index_cast %add3A_1333 : i32 to index
        %get3A_1335 = arith.constant 32 : index
        %get3A_1336 = tpu.vector_load %arg9[%get3A_1334, %get3A_1335] {strides = array<i32>} : memref<672x64xf32, #tpu.memory_space<vmem>>, vector<1x16xf32>,
        %get3A_1337 = vector.shape_cast %get3A_1336 : vector<1x16xf32> to vector<16xf32>
        %mul3A_1338 = arith.mulf %get3A_1337, %add3A_730 : vector<16xf32>
        %add3A_1339 = arith.addf %add3A_1329, %mul3A_1338 : vector<16xf32>
        %mul3A_1340 = arith.constant 21 : i32
        %mul3A_1341 = arith.muli %scan3A_32, %mul3A_1340 : i32
        %add3A_1342 = arith.constant 13 : i32
        %add3A_1343 = arith.addi %mul3A_1341, %add3A_1342 : i32
        %get3A_1344 = arith.index_cast %add3A_1343 : i32 to index
        %get3A_1345 = arith.constant 48 : index
        %get3A_1346 = tpu.vector_load %arg9[%get3A_1344, %get3A_1345] {strides = array<i32>} : memref<672x64xf32, #tpu.memory_space<vmem>>, vector<1x16xf32>,
        %get3A_1347 = vector.shape_cast %get3A_1346 : vector<1x16xf32> to vector<16xf32>
        %mul3A_1348 = arith.mulf %get3A_1347, %add3A_739 : vector<16xf32>
        %add3A_1349 = arith.addf %add3A_1339, %mul3A_1348 : vector<16xf32>
        %swap3A_1350 = arith.index_cast %scan3A_32 : i32 to index
        %swap3A_1351 = arith.constant 208 : index
        %swap3A_1352 = tpu.vector_load %arg11[%swap3A_1350, %swap3A_1351] {strides = array<i32>} : memref<32x336xf32, #tpu.memory_space<vmem>>, vector<1x16xf32>,
        %swap3A_1353 = vector.shape_cast %swap3A_1352 : vector<1x16xf32> to vector<16xf32>
        %swap3A_1354 = vector.shape_cast %add3A_1349 : vector<16xf32> to vector<1x16xf32>
        tpu.vector_store %arg11[%swap3A_1350, %swap3A_1351], %swap3A_1354 {strides = array<i32>} : memref<32x336xf32, #tpu.memory_space<vmem>>, vector<1x16xf32>,
        %mul3A_1355 = arith.constant 21 : i32
        %mul3A_1356 = arith.muli %scan3A_32, %mul3A_1355 : i32
        %add3A_1357 = arith.constant 14 : i32
        %add3A_1358 = arith.addi %mul3A_1356, %add3A_1357 : i32
        %get3A_1359 = arith.index_cast %add3A_1358 : i32 to index
        %get3A_1360 = arith.constant 0 : index
        %get3A_1361 = tpu.vector_load %arg9[%get3A_1359, %get3A_1360] {strides = array<i32>} : memref<672x64xf32, #tpu.memory_space<vmem>>, vector<1x16xf32>,
        %get3A_1362 = vector.shape_cast %get3A_1361 : vector<1x16xf32> to vector<16xf32>
        %mul3A_1363 = arith.mulf %get3A_1362, %add3A_712 : vector<16xf32>
        %mul3A_1364 = arith.constant 21 : i32
        %mul3A_1365 = arith.muli %scan3A_32, %mul3A_1364 : i32
        %add3A_1366 = arith.constant 14 : i32
        %add3A_1367 = arith.addi %mul3A_1365, %add3A_1366 : i32
        %get3A_1368 = arith.index_cast %add3A_1367 : i32 to index
        %get3A_1369 = arith.constant 16 : index
        %get3A_1370 = tpu.vector_load %arg9[%get3A_1368, %get3A_1369] {strides = array<i32>} : memref<672x64xf32, #tpu.memory_space<vmem>>, vector<1x16xf32>,
        %get3A_1371 = vector.shape_cast %get3A_1370 : vector<1x16xf32> to vector<16xf32>
        %mul3A_1372 = arith.mulf %get3A_1371, %add3A_721 : vector<16xf32>
        %add3A_1373 = arith.addf %mul3A_1363, %mul3A_1372 : vector<16xf32>
        %mul3A_1374 = arith.constant 21 : i32
        %mul3A_1375 = arith.muli %scan3A_32, %mul3A_1374 : i32
        %add3A_1376 = arith.constant 14 : i32
        %add3A_1377 = arith.addi %mul3A_1375, %add3A_1376 : i32
        %get3A_1378 = arith.index_cast %add3A_1377 : i32 to index
        %get3A_1379 = arith.constant 32 : index
        %get3A_1380 = tpu.vector_load %arg9[%get3A_1378, %get3A_1379] {strides = array<i32>} : memref<672x64xf32, #tpu.memory_space<vmem>>, vector<1x16xf32>,
        %get3A_1381 = vector.shape_cast %get3A_1380 : vector<1x16xf32> to vector<16xf32>
        %mul3A_1382 = arith.mulf %get3A_1381, %add3A_730 : vector<16xf32>
        %add3A_1383 = arith.addf %add3A_1373, %mul3A_1382 : vector<16xf32>
        %mul3A_1384 = arith.constant 21 : i32
        %mul3A_1385 = arith.muli %scan3A_32, %mul3A_1384 : i32
        %add3A_1386 = arith.constant 14 : i32
        %add3A_1387 = arith.addi %mul3A_1385, %add3A_1386 : i32
        %get3A_1388 = arith.index_cast %add3A_1387 : i32 to index
        %get3A_1389 = arith.constant 48 : index
        %get3A_1390 = tpu.vector_load %arg9[%get3A_1388, %get3A_1389] {strides = array<i32>} : memref<672x64xf32, #tpu.memory_space<vmem>>, vector<1x16xf32>,
        %get3A_1391 = vector.shape_cast %get3A_1390 : vector<1x16xf32> to vector<16xf32>
        %mul3A_1392 = arith.mulf %get3A_1391, %add3A_739 : vector<16xf32>
        %add3A_1393 = arith.addf %add3A_1383, %mul3A_1392 : vector<16xf32>
        %swap3A_1394 = arith.index_cast %scan3A_32 : i32 to index
        %swap3A_1395 = arith.constant 224 : index
        %swap3A_1396 = tpu.vector_load %arg11[%swap3A_1394, %swap3A_1395] {strides = array<i32>} : memref<32x336xf32, #tpu.memory_space<vmem>>, vector<1x16xf32>,
        %swap3A_1397 = vector.shape_cast %swap3A_1396 : vector<1x16xf32> to vector<16xf32>
        %swap3A_1398 = vector.shape_cast %add3A_1393 : vector<16xf32> to vector<1x16xf32>
        tpu.vector_store %arg11[%swap3A_1394, %swap3A_1395], %swap3A_1398 {strides = array<i32>} : memref<32x336xf32, #tpu.memory_space<vmem>>, vector<1x16xf32>,
        %mul3A_1399 = arith.constant 21 : i32
        %mul3A_1400 = arith.muli %scan3A_32, %mul3A_1399 : i32
        %add3A_1401 = arith.constant 15 : i32
        %add3A_1402 = arith.addi %mul3A_1400, %add3A_1401 : i32
        %get3A_1403 = arith.index_cast %add3A_1402 : i32 to index
        %get3A_1404 = arith.constant 0 : index
        %get3A_1405 = tpu.vector_load %arg9[%get3A_1403, %get3A_1404] {strides = array<i32>} : memref<672x64xf32, #tpu.memory_space<vmem>>, vector<1x16xf32>,
        %get3A_1406 = vector.shape_cast %get3A_1405 : vector<1x16xf32> to vector<16xf32>
        %mul3A_1407 = arith.mulf %get3A_1406, %add3A_712 : vector<16xf32>
        %mul3A_1408 = arith.constant 21 : i32
        %mul3A_1409 = arith.muli %scan3A_32, %mul3A_1408 : i32
        %add3A_1410 = arith.constant 15 : i32
        %add3A_1411 = arith.addi %mul3A_1409, %add3A_1410 : i32
        %get3A_1412 = arith.index_cast %add3A_1411 : i32 to index
        %get3A_1413 = arith.constant 16 : index
        %get3A_1414 = tpu.vector_load %arg9[%get3A_1412, %get3A_1413] {strides = array<i32>} : memref<672x64xf32, #tpu.memory_space<vmem>>, vector<1x16xf32>,
        %get3A_1415 = vector.shape_cast %get3A_1414 : vector<1x16xf32> to vector<16xf32>
        %mul3A_1416 = arith.mulf %get3A_1415, %add3A_721 : vector<16xf32>
        %add3A_1417 = arith.addf %mul3A_1407, %mul3A_1416 : vector<16xf32>
        %mul3A_1418 = arith.constant 21 : i32
        %mul3A_1419 = arith.muli %scan3A_32, %mul3A_1418 : i32
        %add3A_1420 = arith.constant 15 : i32
        %add3A_1421 = arith.addi %mul3A_1419, %add3A_1420 : i32
        %get3A_1422 = arith.index_cast %add3A_1421 : i32 to index
        %get3A_1423 = arith.constant 32 : index
        %get3A_1424 = tpu.vector_load %arg9[%get3A_1422, %get3A_1423] {strides = array<i32>} : memref<672x64xf32, #tpu.memory_space<vmem>>, vector<1x16xf32>,
        %get3A_1425 = vector.shape_cast %get3A_1424 : vector<1x16xf32> to vector<16xf32>
        %mul3A_1426 = arith.mulf %get3A_1425, %add3A_730 : vector<16xf32>
        %add3A_1427 = arith.addf %add3A_1417, %mul3A_1426 : vector<16xf32>
        %mul3A_1428 = arith.constant 21 : i32
        %mul3A_1429 = arith.muli %scan3A_32, %mul3A_1428 : i32
        %add3A_1430 = arith.constant 15 : i32
        %add3A_1431 = arith.addi %mul3A_1429, %add3A_1430 : i32
        %get3A_1432 = arith.index_cast %add3A_1431 : i32 to index
        %get3A_1433 = arith.constant 48 : index
        %get3A_1434 = tpu.vector_load %arg9[%get3A_1432, %get3A_1433] {strides = array<i32>} : memref<672x64xf32, #tpu.memory_space<vmem>>, vector<1x16xf32>,
        %get3A_1435 = vector.shape_cast %get3A_1434 : vector<1x16xf32> to vector<16xf32>
        %mul3A_1436 = arith.mulf %get3A_1435, %add3A_739 : vector<16xf32>
        %add3A_1437 = arith.addf %add3A_1427, %mul3A_1436 : vector<16xf32>
        %swap3A_1438 = arith.index_cast %scan3A_32 : i32 to index
        %swap3A_1439 = arith.constant 240 : index
        %swap3A_1440 = tpu.vector_load %arg11[%swap3A_1438, %swap3A_1439] {strides = array<i32>} : memref<32x336xf32, #tpu.memory_space<vmem>>, vector<1x16xf32>,
        %swap3A_1441 = vector.shape_cast %swap3A_1440 : vector<1x16xf32> to vector<16xf32>
        %swap3A_1442 = vector.shape_cast %add3A_1437 : vector<16xf32> to vector<1x16xf32>
        tpu.vector_store %arg11[%swap3A_1438, %swap3A_1439], %swap3A_1442 {strides = array<i32>} : memref<32x336xf32, #tpu.memory_space<vmem>>, vector<1x16xf32>,
        %mul3A_1443 = arith.constant 21 : i32
        %mul3A_1444 = arith.muli %scan3A_32, %mul3A_1443 : i32
        %add3A_1445 = arith.constant 16 : i32
        %add3A_1446 = arith.addi %mul3A_1444, %add3A_1445 : i32
        %get3A_1447 = arith.index_cast %add3A_1446 : i32 to index
        %get3A_1448 = arith.constant 0 : index
        %get3A_1449 = tpu.vector_load %arg9[%get3A_1447, %get3A_1448] {strides = array<i32>} : memref<672x64xf32, #tpu.memory_space<vmem>>, vector<1x16xf32>,
        %get3A_1450 = vector.shape_cast %get3A_1449 : vector<1x16xf32> to vector<16xf32>
        %mul3A_1451 = arith.mulf %get3A_1450, %add3A_712 : vector<16xf32>
        %mul3A_1452 = arith.constant 21 : i32
        %mul3A_1453 = arith.muli %scan3A_32, %mul3A_1452 : i32
        %add3A_1454 = arith.constant 16 : i32
        %add3A_1455 = arith.addi %mul3A_1453, %add3A_1454 : i32
        %get3A_1456 = arith.index_cast %add3A_1455 : i32 to index
        %get3A_1457 = arith.constant 16 : index
        %get3A_1458 = tpu.vector_load %arg9[%get3A_1456, %get3A_1457] {strides = array<i32>} : memref<672x64xf32, #tpu.memory_space<vmem>>, vector<1x16xf32>,
        %get3A_1459 = vector.shape_cast %get3A_1458 : vector<1x16xf32> to vector<16xf32>
        %mul3A_1460 = arith.mulf %get3A_1459, %add3A_721 : vector<16xf32>
        %add3A_1461 = arith.addf %mul3A_1451, %mul3A_1460 : vector<16xf32>
        %mul3A_1462 = arith.constant 21 : i32
        %mul3A_1463 = arith.muli %scan3A_32, %mul3A_1462 : i32
        %add3A_1464 = arith.constant 16 : i32
        %add3A_1465 = arith.addi %mul3A_1463, %add3A_1464 : i32
        %get3A_1466 = arith.index_cast %add3A_1465 : i32 to index
        %get3A_1467 = arith.constant 32 : index
        %get3A_1468 = tpu.vector_load %arg9[%get3A_1466, %get3A_1467] {strides = array<i32>} : memref<672x64xf32, #tpu.memory_space<vmem>>, vector<1x16xf32>,
        %get3A_1469 = vector.shape_cast %get3A_1468 : vector<1x16xf32> to vector<16xf32>
        %mul3A_1470 = arith.mulf %get3A_1469, %add3A_730 : vector<16xf32>
        %add3A_1471 = arith.addf %add3A_1461, %mul3A_1470 : vector<16xf32>
        %mul3A_1472 = arith.constant 21 : i32
        %mul3A_1473 = arith.muli %scan3A_32, %mul3A_1472 : i32
        %add3A_1474 = arith.constant 16 : i32
        %add3A_1475 = arith.addi %mul3A_1473, %add3A_1474 : i32
        %get3A_1476 = arith.index_cast %add3A_1475 : i32 to index
        %get3A_1477 = arith.constant 48 : index
        %get3A_1478 = tpu.vector_load %arg9[%get3A_1476, %get3A_1477] {strides = array<i32>} : memref<672x64xf32, #tpu.memory_space<vmem>>, vector<1x16xf32>,
        %get3A_1479 = vector.shape_cast %get3A_1478 : vector<1x16xf32> to vector<16xf32>
        %mul3A_1480 = arith.mulf %get3A_1479, %add3A_739 : vector<16xf32>
        %add3A_1481 = arith.addf %add3A_1471, %mul3A_1480 : vector<16xf32>
        %swap3A_1482 = arith.index_cast %scan3A_32 : i32 to index
        %swap3A_1483 = arith.constant 256 : index
        %swap3A_1484 = tpu.vector_load %arg11[%swap3A_1482, %swap3A_1483] {strides = array<i32>} : memref<32x336xf32, #tpu.memory_space<vmem>>, vector<1x16xf32>,
        %swap3A_1485 = vector.shape_cast %swap3A_1484 : vector<1x16xf32> to vector<16xf32>
        %swap3A_1486 = vector.shape_cast %add3A_1481 : vector<16xf32> to vector<1x16xf32>
        tpu.vector_store %arg11[%swap3A_1482, %swap3A_1483], %swap3A_1486 {strides = array<i32>} : memref<32x336xf32, #tpu.memory_space<vmem>>, vector<1x16xf32>,
        %mul3A_1487 = arith.constant 21 : i32
        %mul3A_1488 = arith.muli %scan3A_32, %mul3A_1487 : i32
        %add3A_1489 = arith.constant 17 : i32
        %add3A_1490 = arith.addi %mul3A_1488, %add3A_1489 : i32
        %get3A_1491 = arith.index_cast %add3A_1490 : i32 to index
        %get3A_1492 = arith.constant 0 : index
        %get3A_1493 = tpu.vector_load %arg9[%get3A_1491, %get3A_1492] {strides = array<i32>} : memref<672x64xf32, #tpu.memory_space<vmem>>, vector<1x16xf32>,
        %get3A_1494 = vector.shape_cast %get3A_1493 : vector<1x16xf32> to vector<16xf32>
        %mul3A_1495 = arith.mulf %get3A_1494, %add3A_712 : vector<16xf32>
        %mul3A_1496 = arith.constant 21 : i32
        %mul3A_1497 = arith.muli %scan3A_32, %mul3A_1496 : i32
        %add3A_1498 = arith.constant 17 : i32
        %add3A_1499 = arith.addi %mul3A_1497, %add3A_1498 : i32
        %get3A_1500 = arith.index_cast %add3A_1499 : i32 to index
        %get3A_1501 = arith.constant 16 : index
        %get3A_1502 = tpu.vector_load %arg9[%get3A_1500, %get3A_1501] {strides = array<i32>} : memref<672x64xf32, #tpu.memory_space<vmem>>, vector<1x16xf32>,
        %get3A_1503 = vector.shape_cast %get3A_1502 : vector<1x16xf32> to vector<16xf32>
        %mul3A_1504 = arith.mulf %get3A_1503, %add3A_721 : vector<16xf32>
        %add3A_1505 = arith.addf %mul3A_1495, %mul3A_1504 : vector<16xf32>
        %mul3A_1506 = arith.constant 21 : i32
        %mul3A_1507 = arith.muli %scan3A_32, %mul3A_1506 : i32
        %add3A_1508 = arith.constant 17 : i32
        %add3A_1509 = arith.addi %mul3A_1507, %add3A_1508 : i32
        %get3A_1510 = arith.index_cast %add3A_1509 : i32 to index
        %get3A_1511 = arith.constant 32 : index
        %get3A_1512 = tpu.vector_load %arg9[%get3A_1510, %get3A_1511] {strides = array<i32>} : memref<672x64xf32, #tpu.memory_space<vmem>>, vector<1x16xf32>,
        %get3A_1513 = vector.shape_cast %get3A_1512 : vector<1x16xf32> to vector<16xf32>
        %mul3A_1514 = arith.mulf %get3A_1513, %add3A_730 : vector<16xf32>
        %add3A_1515 = arith.addf %add3A_1505, %mul3A_1514 : vector<16xf32>
        %mul3A_1516 = arith.constant 21 : i32
        %mul3A_1517 = arith.muli %scan3A_32, %mul3A_1516 : i32
        %add3A_1518 = arith.constant 17 : i32
        %add3A_1519 = arith.addi %mul3A_1517, %add3A_1518 : i32
        %get3A_1520 = arith.index_cast %add3A_1519 : i32 to index
        %get3A_1521 = arith.constant 48 : index
        %get3A_1522 = tpu.vector_load %arg9[%get3A_1520, %get3A_1521] {strides = array<i32>} : memref<672x64xf32, #tpu.memory_space<vmem>>, vector<1x16xf32>,
        %get3A_1523 = vector.shape_cast %get3A_1522 : vector<1x16xf32> to vector<16xf32>
        %mul3A_1524 = arith.mulf %get3A_1523, %add3A_739 : vector<16xf32>
        %add3A_1525 = arith.addf %add3A_1515, %mul3A_1524 : vector<16xf32>
        %swap3A_1526 = arith.index_cast %scan3A_32 : i32 to index
        %swap3A_1527 = arith.constant 272 : index
        %swap3A_1528 = tpu.vector_load %arg11[%swap3A_1526, %swap3A_1527] {strides = array<i32>} : memref<32x336xf32, #tpu.memory_space<vmem>>, vector<1x16xf32>,
        %swap3A_1529 = vector.shape_cast %swap3A_1528 : vector<1x16xf32> to vector<16xf32>
        %swap3A_1530 = vector.shape_cast %add3A_1525 : vector<16xf32> to vector<1x16xf32>
        tpu.vector_store %arg11[%swap3A_1526, %swap3A_1527], %swap3A_1530 {strides = array<i32>} : memref<32x336xf32, #tpu.memory_space<vmem>>, vector<1x16xf32>,
        %mul3A_1531 = arith.constant 21 : i32
        %mul3A_1532 = arith.muli %scan3A_32, %mul3A_1531 : i32
        %add3A_1533 = arith.constant 18 : i32
        %add3A_1534 = arith.addi %mul3A_1532, %add3A_1533 : i32
        %get3A_1535 = arith.index_cast %add3A_1534 : i32 to index
        %get3A_1536 = arith.constant 0 : index
        %get3A_1537 = tpu.vector_load %arg9[%get3A_1535, %get3A_1536] {strides = array<i32>} : memref<672x64xf32, #tpu.memory_space<vmem>>, vector<1x16xf32>,
        %get3A_1538 = vector.shape_cast %get3A_1537 : vector<1x16xf32> to vector<16xf32>
        %mul3A_1539 = arith.mulf %get3A_1538, %add3A_712 : vector<16xf32>
        %mul3A_1540 = arith.constant 21 : i32
        %mul3A_1541 = arith.muli %scan3A_32, %mul3A_1540 : i32
        %add3A_1542 = arith.constant 18 : i32
        %add3A_1543 = arith.addi %mul3A_1541, %add3A_1542 : i32
        %get3A_1544 = arith.index_cast %add3A_1543 : i32 to index
        %get3A_1545 = arith.constant 16 : index
        %get3A_1546 = tpu.vector_load %arg9[%get3A_1544, %get3A_1545] {strides = array<i32>} : memref<672x64xf32, #tpu.memory_space<vmem>>, vector<1x16xf32>,
        %get3A_1547 = vector.shape_cast %get3A_1546 : vector<1x16xf32> to vector<16xf32>
        %mul3A_1548 = arith.mulf %get3A_1547, %add3A_721 : vector<16xf32>
        %add3A_1549 = arith.addf %mul3A_1539, %mul3A_1548 : vector<16xf32>
        %mul3A_1550 = arith.constant 21 : i32
        %mul3A_1551 = arith.muli %scan3A_32, %mul3A_1550 : i32
        %add3A_1552 = arith.constant 18 : i32
        %add3A_1553 = arith.addi %mul3A_1551, %add3A_1552 : i32
        %get3A_1554 = arith.index_cast %add3A_1553 : i32 to index
        %get3A_1555 = arith.constant 32 : index
        %get3A_1556 = tpu.vector_load %arg9[%get3A_1554, %get3A_1555] {strides = array<i32>} : memref<672x64xf32, #tpu.memory_space<vmem>>, vector<1x16xf32>,
        %get3A_1557 = vector.shape_cast %get3A_1556 : vector<1x16xf32> to vector<16xf32>
        %mul3A_1558 = arith.mulf %get3A_1557, %add3A_730 : vector<16xf32>
        %add3A_1559 = arith.addf %add3A_1549, %mul3A_1558 : vector<16xf32>
        %mul3A_1560 = arith.constant 21 : i32
        %mul3A_1561 = arith.muli %scan3A_32, %mul3A_1560 : i32
        %add3A_1562 = arith.constant 18 : i32
        %add3A_1563 = arith.addi %mul3A_1561, %add3A_1562 : i32
        %get3A_1564 = arith.index_cast %add3A_1563 : i32 to index
        %get3A_1565 = arith.constant 48 : index
        %get3A_1566 = tpu.vector_load %arg9[%get3A_1564, %get3A_1565] {strides = array<i32>} : memref<672x64xf32, #tpu.memory_space<vmem>>, vector<1x16xf32>,
        %get3A_1567 = vector.shape_cast %get3A_1566 : vector<1x16xf32> to vector<16xf32>
        %mul3A_1568 = arith.mulf %get3A_1567, %add3A_739 : vector<16xf32>
        %add3A_1569 = arith.addf %add3A_1559, %mul3A_1568 : vector<16xf32>
        %swap3A_1570 = arith.index_cast %scan3A_32 : i32 to index
        %swap3A_1571 = arith.constant 288 : index
        %swap3A_1572 = tpu.vector_load %arg11[%swap3A_1570, %swap3A_1571] {strides = array<i32>} : memref<32x336xf32, #tpu.memory_space<vmem>>, vector<1x16xf32>,
        %swap3A_1573 = vector.shape_cast %swap3A_1572 : vector<1x16xf32> to vector<16xf32>
        %swap3A_1574 = vector.shape_cast %add3A_1569 : vector<16xf32> to vector<1x16xf32>
        tpu.vector_store %arg11[%swap3A_1570, %swap3A_1571], %swap3A_1574 {strides = array<i32>} : memref<32x336xf32, #tpu.memory_space<vmem>>, vector<1x16xf32>,
        %mul3A_1575 = arith.constant 21 : i32
        %mul3A_1576 = arith.muli %scan3A_32, %mul3A_1575 : i32
        %add3A_1577 = arith.constant 19 : i32
        %add3A_1578 = arith.addi %mul3A_1576, %add3A_1577 : i32
        %get3A_1579 = arith.index_cast %add3A_1578 : i32 to index
        %get3A_1580 = arith.constant 0 : index
        %get3A_1581 = tpu.vector_load %arg9[%get3A_1579, %get3A_1580] {strides = array<i32>} : memref<672x64xf32, #tpu.memory_space<vmem>>, vector<1x16xf32>,
        %get3A_1582 = vector.shape_cast %get3A_1581 : vector<1x16xf32> to vector<16xf32>
        %mul3A_1583 = arith.mulf %get3A_1582, %add3A_712 : vector<16xf32>
        %mul3A_1584 = arith.constant 21 : i32
        %mul3A_1585 = arith.muli %scan3A_32, %mul3A_1584 : i32
        %add3A_1586 = arith.constant 19 : i32
        %add3A_1587 = arith.addi %mul3A_1585, %add3A_1586 : i32
        %get3A_1588 = arith.index_cast %add3A_1587 : i32 to index
        %get3A_1589 = arith.constant 16 : index
        %get3A_1590 = tpu.vector_load %arg9[%get3A_1588, %get3A_1589] {strides = array<i32>} : memref<672x64xf32, #tpu.memory_space<vmem>>, vector<1x16xf32>,
        %get3A_1591 = vector.shape_cast %get3A_1590 : vector<1x16xf32> to vector<16xf32>
        %mul3A_1592 = arith.mulf %get3A_1591, %add3A_721 : vector<16xf32>
        %add3A_1593 = arith.addf %mul3A_1583, %mul3A_1592 : vector<16xf32>
        %mul3A_1594 = arith.constant 21 : i32
        %mul3A_1595 = arith.muli %scan3A_32, %mul3A_1594 : i32
        %add3A_1596 = arith.constant 19 : i32
        %add3A_1597 = arith.addi %mul3A_1595, %add3A_1596 : i32
        %get3A_1598 = arith.index_cast %add3A_1597 : i32 to index
        %get3A_1599 = arith.constant 32 : index
        %get3A_1600 = tpu.vector_load %arg9[%get3A_1598, %get3A_1599] {strides = array<i32>} : memref<672x64xf32, #tpu.memory_space<vmem>>, vector<1x16xf32>,
        %get3A_1601 = vector.shape_cast %get3A_1600 : vector<1x16xf32> to vector<16xf32>
        %mul3A_1602 = arith.mulf %get3A_1601, %add3A_730 : vector<16xf32>
        %add3A_1603 = arith.addf %add3A_1593, %mul3A_1602 : vector<16xf32>
        %mul3A_1604 = arith.constant 21 : i32
        %mul3A_1605 = arith.muli %scan3A_32, %mul3A_1604 : i32
        %add3A_1606 = arith.constant 19 : i32
        %add3A_1607 = arith.addi %mul3A_1605, %add3A_1606 : i32
        %get3A_1608 = arith.index_cast %add3A_1607 : i32 to index
        %get3A_1609 = arith.constant 48 : index
        %get3A_1610 = tpu.vector_load %arg9[%get3A_1608, %get3A_1609] {strides = array<i32>} : memref<672x64xf32, #tpu.memory_space<vmem>>, vector<1x16xf32>,
        %get3A_1611 = vector.shape_cast %get3A_1610 : vector<1x16xf32> to vector<16xf32>
        %mul3A_1612 = arith.mulf %get3A_1611, %add3A_739 : vector<16xf32>
        %add3A_1613 = arith.addf %add3A_1603, %mul3A_1612 : vector<16xf32>
        %swap3A_1614 = arith.index_cast %scan3A_32 : i32 to index
        %swap3A_1615 = arith.constant 304 : index
        %swap3A_1616 = tpu.vector_load %arg11[%swap3A_1614, %swap3A_1615] {strides = array<i32>} : memref<32x336xf32, #tpu.memory_space<vmem>>, vector<1x16xf32>,
        %swap3A_1617 = vector.shape_cast %swap3A_1616 : vector<1x16xf32> to vector<16xf32>
        %swap3A_1618 = vector.shape_cast %add3A_1613 : vector<16xf32> to vector<1x16xf32>
        tpu.vector_store %arg11[%swap3A_1614, %swap3A_1615], %swap3A_1618 {strides = array<i32>} : memref<32x336xf32, #tpu.memory_space<vmem>>, vector<1x16xf32>,
        %mul3A_1619 = arith.constant 21 : i32
        %mul3A_1620 = arith.muli %scan3A_32, %mul3A_1619 : i32
        %add3A_1621 = arith.constant 20 : i32
        %add3A_1622 = arith.addi %mul3A_1620, %add3A_1621 : i32
        %get3A_1623 = arith.index_cast %add3A_1622 : i32 to index
        %get3A_1624 = arith.constant 0 : index
        %get3A_1625 = tpu.vector_load %arg9[%get3A_1623, %get3A_1624] {strides = array<i32>} : memref<672x64xf32, #tpu.memory_space<vmem>>, vector<1x16xf32>,
        %get3A_1626 = vector.shape_cast %get3A_1625 : vector<1x16xf32> to vector<16xf32>
        %mul3A_1627 = arith.mulf %get3A_1626, %add3A_712 : vector<16xf32>
        %mul3A_1628 = arith.constant 21 : i32
        %mul3A_1629 = arith.muli %scan3A_32, %mul3A_1628 : i32
        %add3A_1630 = arith.constant 20 : i32
        %add3A_1631 = arith.addi %mul3A_1629, %add3A_1630 : i32
        %get3A_1632 = arith.index_cast %add3A_1631 : i32 to index
        %get3A_1633 = arith.constant 16 : index
        %get3A_1634 = tpu.vector_load %arg9[%get3A_1632, %get3A_1633] {strides = array<i32>} : memref<672x64xf32, #tpu.memory_space<vmem>>, vector<1x16xf32>,
        %get3A_1635 = vector.shape_cast %get3A_1634 : vector<1x16xf32> to vector<16xf32>
        %mul3A_1636 = arith.mulf %get3A_1635, %add3A_721 : vector<16xf32>
        %add3A_1637 = arith.addf %mul3A_1627, %mul3A_1636 : vector<16xf32>
        %mul3A_1638 = arith.constant 21 : i32
        %mul3A_1639 = arith.muli %scan3A_32, %mul3A_1638 : i32
        %add3A_1640 = arith.constant 20 : i32
        %add3A_1641 = arith.addi %mul3A_1639, %add3A_1640 : i32
        %get3A_1642 = arith.index_cast %add3A_1641 : i32 to index
        %get3A_1643 = arith.constant 32 : index
        %get3A_1644 = tpu.vector_load %arg9[%get3A_1642, %get3A_1643] {strides = array<i32>} : memref<672x64xf32, #tpu.memory_space<vmem>>, vector<1x16xf32>,
        %get3A_1645 = vector.shape_cast %get3A_1644 : vector<1x16xf32> to vector<16xf32>
        %mul3A_1646 = arith.mulf %get3A_1645, %add3A_730 : vector<16xf32>
        %add3A_1647 = arith.addf %add3A_1637, %mul3A_1646 : vector<16xf32>
        %mul3A_1648 = arith.constant 21 : i32
        %mul3A_1649 = arith.muli %scan3A_32, %mul3A_1648 : i32
        %add3A_1650 = arith.constant 20 : i32
        %add3A_1651 = arith.addi %mul3A_1649, %add3A_1650 : i32
        %get3A_1652 = arith.index_cast %add3A_1651 : i32 to index
        %get3A_1653 = arith.constant 48 : index
        %get3A_1654 = tpu.vector_load %arg9[%get3A_1652, %get3A_1653] {strides = array<i32>} : memref<672x64xf32, #tpu.memory_space<vmem>>, vector<1x16xf32>,
        %get3A_1655 = vector.shape_cast %get3A_1654 : vector<1x16xf32> to vector<16xf32>
        %mul3A_1656 = arith.mulf %get3A_1655, %add3A_739 : vector<16xf32>
        %add3A_1657 = arith.addf %add3A_1647, %mul3A_1656 : vector<16xf32>
        %swap3A_1658 = arith.index_cast %scan3A_32 : i32 to index
        %swap3A_1659 = arith.constant 320 : index
        %swap3A_1660 = tpu.vector_load %arg11[%swap3A_1658, %swap3A_1659] {strides = array<i32>} : memref<32x336xf32, #tpu.memory_space<vmem>>, vector<1x16xf32>,
        %swap3A_1661 = vector.shape_cast %swap3A_1660 : vector<1x16xf32> to vector<16xf32>
        %swap3A_1662 = vector.shape_cast %add3A_1657 : vector<16xf32> to vector<1x16xf32>
        tpu.vector_store %arg11[%swap3A_1658, %swap3A_1659], %swap3A_1662 {strides = array<i32>} : memref<32x336xf32, #tpu.memory_space<vmem>>, vector<1x16xf32>,
      }
      %scan3A_31 = arith.constant 32 : i32
      "tpu.region"() ({
        %run_scoped3A = tpu.sem_alloc : memref<!tpu.dma_semaphore, #tpu.memory_space<semaphore_mem>>
        %dma_start3A_32 = arith.constant 0 : i32
        %dma_start3A_33 = tpu.memref_slice %arg6[%add3A_11, %dma_start3A_32] : memref<16384x336xf32, #tpu.memory_space<hbm>> -> memref<32x336xf32, #tpu.memory_space<hbm>>
        %dma_start3A_34 = arith.constant 0 : i32
        %dma_start3A_35 = tpu.memref_slice %arg6[%add3A_11, %dma_start3A_34] : memref<16384x336xf32, #tpu.memory_space<hbm>> -> memref<32x336xf32, #tpu.memory_space<hbm>>
        tpu.enqueue_dma source(%arg11 : memref<32x336xf32, #tpu.memory_space<vmem>>) target(%dma_start3A_35 : memref<32x336xf32, #tpu.memory_space<hbm>>) target_semaphore(%run_scoped3A : memref<!tpu.dma_semaphore, #tpu.memory_space<semaphore_mem>>)
        %dma_wait3A_36 = arith.constant 0 : i32
        %dma_wait3A_37 = tpu.memref_slice %arg6[%add3A_11, %dma_wait3A_36] : memref<16384x336xf32, #tpu.memory_space<hbm>> -> memref<32x336xf32, #tpu.memory_space<hbm>>
        %dma_wait3A_38 = arith.constant 0 : i32
        %dma_wait3A_39 = tpu.memref_slice %arg6[%add3A_11, %dma_wait3A_38] : memref<16384x336xf32, #tpu.memory_space<hbm>> -> memref<32x336xf32, #tpu.memory_space<hbm>>
        tpu.wait_dma2 semaphore(%run_scoped3A : memref<!tpu.dma_semaphore, #tpu.memory_space<semaphore_mem>>) src(%arg11 : memref<32x336xf32, #tpu.memory_space<vmem>>) dst(%dma_wait3A_39 : memref<32x336xf32, #tpu.memory_space<hbm>>)
        tpu.yield
      }) : () -> ()
    }
    %scan3A_5 = arith.constant 16 : i32
    return
  }
}

module attributes {stable_mosaic.version = 14 : i64} {
  func.func @_loss_tc_body(%arg0: i32, %arg1: memref<2000x64xf32, #tpu.memory_space<vmem>>, %arg2: memref<2000x64xf32, #tpu.memory_space<vmem>>, %arg3: memref<2000x64xf32, #tpu.memory_space<vmem>>, %arg4: memref<328x336xf32, #tpu.memory_space<vmem>>, %arg5: memref<1x1xf32, #tpu.memory_space<smem>>, %arg6: memref<8x128xf32, #tpu.memory_space<vmem>>) attributes {dimension_semantics = [#tpu.dimension_semantics<arbitrary>], iteration_bounds = array<i64: 50>, scalar_prefetch = 0 : i64, scratch_operands = 1 : i64, tpu.core_type = #tpu.core_type<tc>, window_params = [{transform_indices = @transform_0, window_bounds = array<i64: 2000, 64>}, {transform_indices = @transform_1, window_bounds = array<i64: 2000, 64>}, {transform_indices = @transform_2, window_bounds = array<i64: 2000, 64>}, {transform_indices = @transform_3, window_bounds = array<i64: 328, 336>}, {transform_indices = @transform_4, window_bounds = array<i64: 1, 1>}]} {
    %eq3A = arith.constant 0 : i32
    %eq3A_0 = arith.cmpi eq, %arg0, %eq3A : i32
    %convert_element_type3A = arith.extui %eq3A_0 : i1 to i32
    %cond3A = arith.constant 0 : i32
    %cond3A_1 = arith.cmpi ne, %convert_element_type3A, %cond3A : i32
    scf.if %cond3A_1 {
      %broadcast_in_dim3A_99 = arith.constant 0.000000e+00 : f32
      %broadcast_in_dim3A_100 = vector.broadcast %broadcast_in_dim3A_99 : f32 to vector<8x128xf32>
      %swap3A_101 = arith.constant 0 : index
      %swap3A_102 = arith.constant 0 : index
      %swap3A_103 = vector.load %arg6[%swap3A_101, %swap3A_102] : memref<8x128xf32, #tpu.memory_space<vmem>>, vector<8x128xf32>
      tpu.vector_store %arg6[%swap3A_101, %swap3A_102], %broadcast_in_dim3A_100 {strides = array<i32>} : memref<8x128xf32, #tpu.memory_space<vmem>>, vector<8x128xf32>,
    } else {
    }
    %get3A = arith.constant 0 : index
    %get3A_2 = arith.constant 0 : index
    %get3A_3 = vector.load %arg1[%get3A, %get3A_2] : memref<2000x64xf32, #tpu.memory_space<vmem>>, vector<2000x64xf32>
    %get3A_4 = arith.constant 0 : index
    %get3A_5 = arith.constant 0 : index
    %get3A_6 = vector.load %arg2[%get3A_4, %get3A_5] : memref<2000x64xf32, #tpu.memory_space<vmem>>, vector<2000x64xf32>
    %get3A_7 = arith.constant 0 : index
    %get3A_8 = arith.constant 0 : index
    %get3A_9 = vector.load %arg3[%get3A_7, %get3A_8] : memref<2000x64xf32, #tpu.memory_space<vmem>>, vector<2000x64xf32>
    %sub3A = arith.subf %get3A_3, %get3A_9 : vector<2000x64xf32>
    %mul3A = arith.mulf %get3A_3, %get3A_3 : vector<2000x64xf32>
    %mul3A_10 = arith.mulf %get3A_6, %get3A_6 : vector<2000x64xf32>
    %add3A = arith.addf %mul3A, %mul3A_10 : vector<2000x64xf32>
    %mul3A_11 = arith.constant -5.000000e-01 : f32
    %mul3A_12 = vector.broadcast %mul3A_11 : f32 to vector<2000x64xf32>
    %mul3A_13 = arith.mulf %mul3A_12, %add3A : vector<2000x64xf32>
    %mul3A_14 = arith.mulf %sub3A, %sub3A : vector<2000x64xf32>
    %mul3A_15 = arith.constant 5.000000e+03 : f32
    %mul3A_16 = vector.broadcast %mul3A_15 : f32 to vector<2000x64xf32>
    %mul3A_17 = arith.mulf %mul3A_16, %mul3A_14 : vector<2000x64xf32>
    %sub3A_18 = arith.subf %mul3A_13, %mul3A_17 : vector<2000x64xf32>
    %get3A_19 = arith.constant 0 : index
    %get3A_20 = arith.constant 0 : index
    %get3A_21 = vector.load %arg6[%get3A_19, %get3A_20] : memref<8x128xf32, #tpu.memory_space<vmem>>, vector<1x64xf32>
    %reduce_sum3A = arith.constant dense<0.000000e+00> : vector<64xf32>
    %reduce_sum3A_22 = vector.multi_reduction <add>, %sub3A_18, %reduce_sum3A [0] : vector<2000x64xf32> to vector<64xf32>
    %broadcast_in_dim3A = vector.shape_cast %reduce_sum3A_22 : vector<64xf32> to vector<1x64xf32>
    %add3A_23 = arith.addf %get3A_21, %broadcast_in_dim3A : vector<1x64xf32>
    %swap3A = arith.constant 0 : index
    %swap3A_24 = arith.constant 0 : index
    %swap3A_25 = vector.load %arg6[%swap3A, %swap3A_24] : memref<8x128xf32, #tpu.memory_space<vmem>>, vector<1x64xf32>
    tpu.vector_store %arg6[%swap3A, %swap3A_24], %add3A_23 {strides = array<i32>} : memref<8x128xf32, #tpu.memory_space<vmem>>, vector<1x64xf32>,
    %get3A_26 = arith.constant 0 : index
    %get3A_27 = arith.constant 0 : index
    %get3A_28 = vector.load %arg4[%get3A_26, %get3A_27] : memref<328x336xf32, #tpu.memory_space<vmem>>, vector<328x336xf32>
    %iota3A = tpu.iota {dimensions = array<i32: 0>} : vector<336x21xi32>
    %jit3A = arith.constant 16 : i32
    %div3A = vector.broadcast %jit3A : i32 to vector<336x21xi32>
    %div3A_29 = arith.divsi %iota3A, %div3A : vector<336x21xi32>
    %sign3A = arith.constant 0 : i32
    %sign3A_30 = vector.broadcast %sign3A : i32 to vector<336x21xi32>
    %sign3A_31 = arith.cmpi sgt, %iota3A, %sign3A_30 : vector<336x21xi32>
    %sign3A_32 = arith.extui %sign3A_31 : vector<336x21xi1> to vector<336x21xi32>
    %sign3A_33 = arith.constant 0 : i32
    %sign3A_34 = vector.broadcast %sign3A_33 : i32 to vector<336x21xi32>
    %sign3A_35 = arith.cmpi slt, %iota3A, %sign3A_34 : vector<336x21xi32>
    %sign3A_36 = arith.extui %sign3A_35 : vector<336x21xi1> to vector<336x21xi32>
    %sign3A_37 = arith.subi %sign3A_32, %sign3A_36 : vector<336x21xi32>
    %sign3A_38 = arith.constant 0 : i32
    %sign3A_39 = arith.cmpi sgt, %jit3A, %sign3A_38 : i32
    %sign3A_40 = arith.extui %sign3A_39 : i1 to i32
    %sign3A_41 = arith.constant 0 : i32
    %sign3A_42 = arith.cmpi slt, %jit3A, %sign3A_41 : i32
    %sign3A_43 = arith.extui %sign3A_42 : i1 to i32
    %sign3A_44 = arith.subi %sign3A_40, %sign3A_43 : i32
    %ne3A = vector.broadcast %sign3A_44 : i32 to vector<336x21xi32>
    %ne3A_45 = arith.cmpi ne, %sign3A_37, %ne3A : vector<336x21xi32>
    %rem3A = vector.broadcast %jit3A : i32 to vector<336x21xi32>
    %rem3A_46 = arith.remsi %iota3A, %rem3A : vector<336x21xi32>
    %ne3A_47 = arith.constant 0 : i32
    %ne3A_48 = vector.broadcast %ne3A_47 : i32 to vector<336x21xi32>
    %ne3A_49 = arith.cmpi ne, %rem3A_46, %ne3A_48 : vector<336x21xi32>
    %and3A = arith.andi %ne3A_45, %ne3A_49 : vector<336x21xi1>
    %sub3A_50 = arith.constant 1 : i32
    %sub3A_51 = vector.broadcast %sub3A_50 : i32 to vector<336x21xi32>
    %sub3A_52 = arith.subi %div3A_29, %sub3A_51 : vector<336x21xi32>
    %select_n3A = arith.select %and3A, %sub3A_52, %div3A_29 : vector<336x21xi1>, vector<336x21xi32>
    %iota3A_53 = tpu.iota {dimensions = array<i32: 1>} : vector<336x21xi32>
    %eq3A_54 = arith.cmpi eq, %select_n3A, %iota3A_53 : vector<336x21xi32>
    %convert_element_type3A_55 = arith.extui %eq3A_54 : vector<336x21xi1> to vector<336x21xi32>
    %convert_element_type3A_56 = arith.sitofp %convert_element_type3A_55 : vector<336x21xi32> to vector<336x21xf32>
    %dot_general3A = arith.constant dense<0.000000e+00> : vector<328x21xf32>
    %dot_general3A_57 = tpu.matmul %get3A_28, %convert_element_type3A_56, %dot_general3A {dimension_numbers = #tpu.dot_dimension_numbers<[1], [0], [0], [1], [0, 0, 1, 1], [], []>, precision = #tpu.contract_precision<fp32>, transpose_lhs_hint = false} : vector<328x336xf32>, vector<336x21xf32>, vector<328x21xf32> -> vector<328x21xf32>
    %iota3A_58 = tpu.iota {dimensions = array<i32: 1>} : vector<328x21xi32>
    %eq3A_59 = arith.constant 0 : i32
    %eq3A_60 = vector.broadcast %eq3A_59 : i32 to vector<328x21xi32>
    %eq3A_61 = arith.cmpi eq, %iota3A_58, %eq3A_60 : vector<328x21xi32>
    %neg3A = arith.constant 0.000000e+00 : f32
    %neg3A_62 = vector.broadcast %neg3A : f32 to vector<328x21xf32>
    %neg3A_63 = arith.subf %neg3A_62, %dot_general3A_57 : vector<328x21xf32>
    %select_n3A_64 = arith.select %eq3A_61, %neg3A_63, %dot_general3A_57 : vector<328x21xi1>, vector<328x21xf32>
    %max3A = arith.constant 0.000000e+00 : f32
    %max3A_65 = vector.broadcast %max3A : f32 to vector<328x21xf32>
    %max3A_66 = arith.maximumf %select_n3A_64, %max3A_65 : vector<328x21xf32>
    %abs3A = math.absf %select_n3A_64 : vector<328x21xf32>
    %neg3A_67 = arith.constant 0.000000e+00 : f32
    %neg3A_68 = vector.broadcast %neg3A_67 : f32 to vector<328x21xf32>
    %neg3A_69 = arith.subf %neg3A_68, %abs3A : vector<328x21xf32>
    %exp3A = math.exp %neg3A_69 : vector<328x21xf32>
    %log1p3A = math.log1p %exp3A : vector<328x21xf32>
    %add3A_70 = arith.addf %max3A_66, %log1p3A : vector<328x21xf32>
    %iota3A_71 = tpu.iota {dimensions = array<i32: 0>} : vector<328x21xi32>
    %eq3A_72 = arith.constant 49 : i32
    %eq3A_73 = arith.cmpi eq, %arg0, %eq3A_72 : i32
    %jit3A_74 = arith.constant 312 : i32
    %jit3A_75 = arith.constant 328 : i32
    %select_n3A_76 = arith.select %eq3A_73, %jit3A_74, %jit3A_75 : i32
    %lt3A = vector.broadcast %select_n3A_76 : i32 to vector<328x21xi32>
    %lt3A_77 = arith.cmpi slt, %iota3A_71, %lt3A : vector<328x21xi32>
    %neg3A_78 = arith.constant 0.000000e+00 : f32
    %neg3A_79 = vector.broadcast %neg3A_78 : f32 to vector<328x21xf32>
    %neg3A_80 = arith.subf %neg3A_79, %add3A_70 : vector<328x21xf32>
    %jit3A_81 = arith.constant 0.000000e+00 : f32
    %broadcast_in_dim3A_82 = vector.broadcast %jit3A_81 : f32 to vector<328x21xf32>
    %select_n3A_83 = arith.select %lt3A_77, %neg3A_80, %broadcast_in_dim3A_82 : vector<328x21xi1>, vector<328x21xf32>
    %get3A_84 = arith.constant 1 : index
    %get3A_85 = arith.constant 0 : index
    %get3A_86 = vector.load %arg6[%get3A_84, %get3A_85] : memref<8x128xf32, #tpu.memory_space<vmem>>, vector<1x21xf32>
    %reduce_sum3A_87 = arith.constant dense<0.000000e+00> : vector<21xf32>
    %reduce_sum3A_88 = vector.multi_reduction <add>, %select_n3A_83, %reduce_sum3A_87 [0] : vector<328x21xf32> to vector<21xf32>
    %broadcast_in_dim3A_89 = vector.shape_cast %reduce_sum3A_88 : vector<21xf32> to vector<1x21xf32>
    %add3A_90 = arith.addf %get3A_86, %broadcast_in_dim3A_89 : vector<1x21xf32>
    %swap3A_91 = arith.constant 1 : index
    %swap3A_92 = arith.constant 0 : index
    %swap3A_93 = vector.load %arg6[%swap3A_91, %swap3A_92] : memref<8x128xf32, #tpu.memory_space<vmem>>, vector<1x21xf32>
    tpu.vector_store %arg6[%swap3A_91, %swap3A_92], %add3A_90 {strides = array<i32>} : memref<8x128xf32, #tpu.memory_space<vmem>>, vector<1x21xf32>,
    %eq3A_94 = arith.constant 49 : i32
    %eq3A_95 = arith.cmpi eq, %arg0, %eq3A_94 : i32
    %convert_element_type3A_96 = arith.extui %eq3A_95 : i1 to i32
    %cond3A_97 = arith.constant 0 : i32
    %cond3A_98 = arith.cmpi ne, %convert_element_type3A_96, %cond3A_97 : i32
    scf.if %cond3A_98 {
      %get3A_99 = arith.constant 0 : index
      %get3A_100 = arith.constant 0 : index
      %get3A_101 = vector.load %arg6[%get3A_99, %get3A_100] : memref<8x128xf32, #tpu.memory_space<vmem>>, vector<8x128xf32>
      %reduce_sum3A_102 = vector.shape_cast %get3A_101 : vector<8x128xf32> to vector<1x8x128xf32>
      %reduce_sum3A_103 = arith.constant dense<0.000000e+00> : vector<1xf32>
      %reduce_sum3A_104 = vector.multi_reduction <add>, %reduce_sum3A_102, %reduce_sum3A_103 [1, 2] : vector<1x8x128xf32> to vector<1xf32>
      %reduce_sum3A_105 = vector.shape_cast %reduce_sum3A_104 : vector<1xf32> to vector<1x1x1xf32>
      %reduce_sum3A_106 = vector.extract %reduce_sum3A_105[0, 0, 0] : f32 from vector<1x1x1xf32>
      %add3A_107 = arith.constant 0x4B3480DD : f32
      %add3A_108 = arith.addf %reduce_sum3A_106, %add3A_107 : f32
      %swap3A_109 = arith.constant 0 : index
      %swap3A_110 = arith.constant 0 : index
      %swap3A_111 = memref.load %arg5[%swap3A_109, %swap3A_110] : memref<1x1xf32, #tpu.memory_space<smem>>
      memref.store %add3A_108, %arg5[%swap3A_109, %swap3A_110] : memref<1x1xf32, #tpu.memory_space<smem>>
    } else {
    }
    return
  }
  func.func @transform_0(%arg0: i32) -> (i32, i32) {
    %c0_i32 = arith.constant 0 : i32
    %c0_i32_0 = arith.constant 0 : i32
    return %arg0, %c0_i32 : i32, i32
  }
  func.func @transform_1(%arg0: i32) -> (i32, i32) {
    %c0_i32 = arith.constant 0 : i32
    %c0_i32_0 = arith.constant 0 : i32
    return %arg0, %c0_i32 : i32, i32
  }
  func.func @transform_2(%arg0: i32) -> (i32, i32) {
    %c0_i32 = arith.constant 0 : i32
    %c0_i32_0 = arith.constant 0 : i32
    return %arg0, %c0_i32 : i32, i32
  }
  func.func @transform_3(%arg0: i32) -> (i32, i32) {
    %c0_i32 = arith.constant 0 : i32
    %c0_i32_0 = arith.constant 0 : i32
    return %arg0, %c0_i32 : i32, i32
  }
  func.func @transform_4(%arg0: i32) -> (i32, i32) {
    %c0_i32 = arith.constant 0 : i32
    %c0_i32_0 = arith.constant 0 : i32
    %c0_i32_1 = arith.constant 0 : i32
    return %c0_i32, %c0_i32_0 : i32, i32
  }
}

</mosaic_0001>

<sc_bundles>
// kernel: kernel.4.cloned.1.call-start
scs
__scs_entry_jumppad:
0x0: {  	(pc) =	sbr.rel $0x88, $3  }
0x1: {  	(tag) =	ssettag $0x0;
	lr =	simm.s32 $0x1  }
0x2: {  	[smem:$0x3F9B] =	sst lr;
	_ =	strace $0xD0000000  }
0x3: {  	_ = 	snop  }
0x4: {  	_ = 	snop  }
0x5: {  	_ = 	snop  }
0x6: {  	_ = 	snop  }
0x7: {  	_ = 	snop  }
__scs_overlays_trampoline_lowered:
0x8: {  	[smem:$0x3FAA] =	sst s0  }
0x9: {  	[smem:$0x3FAB] =	sst s1  }
0xa: {  	[smem:$0x3FAC] =	sst s2  }
0xb: {  	[smem:$0x3FAD] =	sst s3  }
0xc: {  	[smem:$0x3FAE] =	sst s4  }
0xd: {  	[smem:$0x3FAF] =	sst s5  }
0xe: {  	[smem:$0x3FB0] =	sst s6  }
0xf: {  	[smem:$0x3FB1] =	sst s7  }
0x10: {  	[smem:$0x3FB2] =	sst s8  }
0x11: {  	[smem:$0x3FB3] =	sst s9;
	s0 =	simm.s32 @!p0 $0x0  }
0x12: {  	s1 =	sld [smem:$0x3F99];
	s0 =	simm.s32 @p0 $0x1  }
0x13: {  	[smem:$0x3FB4] =	sst s0;
	s0 =	simm.s32 @!p1 $0x0  }
0x14: {  	s2 =	sld [smem:$0x3F98];
	s0 =	simm.s32 @p1 $0x1  }
0x15: {  	[smem:$0x3FB5] =	sst s0;
	s0 =	simm.s32 @!p2 $0x0  }
0x16: {  	s3 =	sld [smem:$0x3FDB];
	s0 =	simm.s32 @p2 $0x1  }
0x17: {  	s4 =	simm.s32 $0x1BF5;
	[smem:$0x3FB7] =	sst s0  }
0x18: {  	s0 =	sld [smem:$0x3F9A];
	_ =	swait.ge [sflag:s4], $0x0  }
0x19: {  	s7 =	sld [smem:$0x3F9B]  }
0x1a: {  	s8 =	sadd.s32 $0xFFFFE003, lr  }
0x1b: {  	s9 =	sadd.s32 $0xFFFFFEF7, lr;
	s5 =	simm.s32 $0xFFFFFFFF;
	p2 =	slt.u32 s8, $0xFFFFF086  }
0x1c: {  	p1 =	slt.u32 s9, $0xF7A;
	s5 =	simm.s32 @!p2 $0x0  }
0x1d: {  	s5 =	simm.s32 @p1 $0x1;
	p0 =	seq.s32 s7, s2  }
0x1e: {  	s7 =	smul.u32 @!p0 $0xF7A, s2;
	p2 =	seq.s32 @!p0 s5, $0x0  }
0x1f: {  	s9 =	smul.u32 $0xF7A, s1;
	s8 =	simm.s32 @!p0 $0x1BF5;
	p2 =	por !p2, p0  }
0x20: {  	[sflag:s8] =	ssyncset.s32 @!p0 $0xFFFFF086;
	s6 =	sadd.s32 @!p0 s3, s7;
	s7 =	simm.s32 @!p0 $0x108  }
0x21: {  	s3 =	sadd.s32 s3, s9;
	s6 =	sadd.s32 @!p0 $0x88, s6;
	s7 =	simm.s32 @p2 $0x1082  }
0x22: {  	[simem:s7], [sflag:s8] =	dma.local @!p0 [hbm:s6], $0xF7A  }
0x23: {  	s9 =	sor.u32 $0xD0000000, s2;
	s6 =	simm.s32 $0x108;
	_ =	swait.ge @!p0 [sflag:s8], $0x0  }
0x24: {  	s3 =	sadd.s32 $0x88, s3;
	s6 =	simm.s32 @!p1 $0x1082;
	[sflag:s4] =	ssyncset.s32 $0xFFFFF086  }
0x25: {  	[simem:s6], [sflag:s4] =	dma.local [hbm:s3], $0xF7A  }
0x26: {  	[smem:$0x3F9B] =	sst s1;
	(tag) =	ssettag s2;
	_ =	strace s9  }
0x27: {  	s1 =	sld [smem:$0x3FAB]  }
0x28: {  	s2 =	sld [smem:$0x3FAC]  }
0x29: {  	s4 =	sld [smem:$0x3FAE]  }
0x2a: {  	p0 =	seq.s32 s5, $0x0;
	s5 =	sld [smem:$0x3FAF]  }
0x2b: {  	s6 =	sld [smem:$0x3FB0]  }
0x2c: {  	s7 =	sld [smem:$0x3FB1]  }
0x2d: {  	s3 =	simm.s32 $0x108;
	s8 =	sld [smem:$0x3FB2]  }
0x2e: {  	s3 =	simm.s32 @!p0 $0x1082;
	s9 =	sld [smem:$0x3FB3]  }
0x2f: {  	lr =	sadd.s32 s0, s3;
	s0 =	sld [smem:$0x3FAA]  }
0x30: {  	s3 =	sld [smem:$0x3FAD]  }
0x31: {  	[smem:$0x3FB6] =	sst s10  }
0x32: {  	s10 =	sld [smem:$0x3FB4];
	_ =	sdelay $0x3  }
0x33: {  	p0 =	seq.s32 s10, $0x1;
	s10 =	sld [smem:$0x3FB6];
	_ =	sdelay $0x3  }
0x34: {  	[smem:$0x3FB6] =	sst s10  }
0x35: {  	s10 =	sld [smem:$0x3FB5];
	_ =	sdelay $0x3  }
0x36: {  	p1 =	seq.s32 s10, $0x1;
	s10 =	sld [smem:$0x3FB6];
	_ =	sdelay $0x3  }
0x37: {  	[smem:$0x3FB6] =	sst s10  }
0x38: {  	s10 =	sld [smem:$0x3FB7]  }
0x39: {  	_ = 	snop;
	(pc) =	sbr.ind lr, $3  }
0x3a: {  	_ = 	snop  }
0x3b: {  	_ = 	snop  }
0x3c: {  	p2 =	seq.s32 s10, $0x1;
	s10 =	sld [smem:$0x3FB6]  }
0x3d: {  	_ =	shalt  }
0x3e: {  	_ =	shalt  }
0x3f: {  	_ =	shalt  }
0x40: {  	_ =	shalt  }
0x41: {  	_ =	shalt  }
0x42: {  	_ =	shalt  }
0x43: {  	_ =	shalt  }
0x44: {  	_ =	shalt  }
0x45: {  	_ =	shalt  }
0x46: {  	_ =	shalt  }
0x47: {  	_ =	shalt  }
0x48: {  	_ =	shalt  }
0x49: {  	_ =	shalt  }
0x4a: {  	_ =	shalt  }
0x4b: {  	_ =	shalt  }
0x4c: {  	_ =	shalt  }
0x4d: {  	_ =	shalt  }
0x4e: {  	_ =	shalt  }
0x4f: {  	_ =	shalt  }
0x50: {  	_ =	shalt  }
0x51: {  	_ =	shalt  }
0x52: {  	_ =	shalt  }
0x53: {  	_ =	shalt  }
0x54: {  	_ =	shalt  }
0x55: {  	_ =	shalt  }
0x56: {  	_ =	shalt  }
0x57: {  	_ =	shalt  }
0x58: {  	_ =	shalt  }
0x59: {  	_ =	shalt  }
0x5a: {  	_ =	shalt  }
0x5b: {  	_ =	shalt  }
0x5c: {  	_ =	shalt  }
0x5d: {  	_ =	shalt  }
0x5e: {  	_ =	shalt  }
0x5f: {  	_ =	shalt  }
0x60: {  	_ =	shalt  }
0x61: {  	_ =	shalt  }
0x62: {  	_ =	shalt  }
0x63: {  	_ =	shalt  }
0x64: {  	_ =	shalt  }
0x65: {  	_ =	shalt  }
0x66: {  	_ =	shalt  }
0x67: {  	_ =	shalt  }
0x68: {  	_ =	shalt  }
0x69: {  	_ =	shalt  }
0x6a: {  	_ =	shalt  }
0x6b: {  	_ =	shalt  }
0x6c: {  	_ =	shalt  }
0x6d: {  	_ =	shalt  }
0x6e: {  	_ =	shalt  }
0x6f: {  	_ =	shalt  }
0x70: {  	_ =	shalt  }
0x71: {  	_ =	shalt  }
0x72: {  	_ =	shalt  }
0x73: {  	_ =	shalt  }
0x74: {  	_ =	shalt  }
0x75: {  	_ =	shalt  }
0x76: {  	_ =	shalt  }
0x77: {  	_ =	shalt  }
0x78: {  	_ =	shalt  }
0x79: {  	_ =	shalt  }
0x7a: {  	_ =	shalt  }
0x7b: {  	_ =	shalt  }
0x7c: {  	_ =	shalt  }
0x7d: {  	_ =	shalt  }
0x7e: {  	_ =	shalt  }
0x7f: {  	_ =	shalt  }
0x80: {  	_ =	shalt  }
0x81: {  	_ =	shalt  }
0x82: {  	_ =	shalt  }
0x83: {  	_ =	shalt  }
0x84: {  	_ =	shalt  }
0x85: {  	_ =	shalt  }
0x86: {  	_ =	shalt  }
0x87: {  	_ =	shalt  }
.Lfunc_end0:
.L_simem_size_0:
called_computation_lowered:
.L_overlay_start_0:
0x88: {  	s2 =	sld [smem:$0x3FD9]  }
0x89: {  	s3 =	sld [smem:$0x3FFE];
	_ =	sdelay $0x1  }
0x8a: {  	s1 =	srdreg.scid  }
0x8b: {  	s0 =	sand.u32 $0x1, s1  }
0x8c: {  	s16 =	sshll.u32 s0, $0xA;
	s2 =	sadd.s32 s3, s2  }
0x8d: {  	s2 =	sadd.s32 s2, s16  }
0x8e: {  	[smem:$0x3FC2] =	sst s2  }
0x8f: {  	_ = 	snop  }
0x90: {  	(tm) =	ssettm $0x1  }
0x91: {  	s17 =	sld [smem:$0x3FFB];
	_ =	sdelay $0x3  }
0x92: {  	_ =	strace s17  }
0x93: {  	s2 =	sld [smem:$0x3FFC];
	_ =	sdelay $0x3  }
0x94: {  	_ =	strace s2  }
0x95: {  	s2 =	sld [smem:$0x3FFD];
	_ =	sdelay $0x3  }
0x96: {  	_ =	strace s2  }
0x97: {  	_ =	strace $0x8FFFFFFF  }
0x98: {  	s18 =	sld [smem:$0x3FDB];
	_ =	sdelay $0x1  }
0x99: {  	s19 =	simm.s32 $_scs_section_size  }
0x9a: {  	s4 =	simm.s32 $_size__tile_overlayer_lowered;
	s5 =	simm.s32 $_tile_overlayer_lowered  }
0x9b: {  	s22 =	simm.s32 $0x1BFF;
	s21 =	sshll.u32 s5, $0x1;
	s2 =	sadd.s32 s19, s18  }
0x9c: {  	s6 =	simm.s32 $0x0;
	s20 =	sshll.u32 s4, $0x1;
	s4 =	sadd.s32 s21, s2  }
0x9d: {  	[timem:s6], [sflag:s22] =	dma.local [hbm:s4], s20  }
0x9e: {  	_ =	swait.ge [sflag:s22], s20  }
0x9f: {  	s3 =	ssub.s32 $0x0, s20;
	[sflag:s22] =	ssyncset.done $0x0  }
0xa0: {  	[sflag:s22] =	ssyncadd.s32 s3;
	_ =	sdelay $0x1  }
0xa1: {  	s23 =	simm.s32 $0x1B8B  }
0xa2: {  	_ =	swait.ge [sflag:s23], $0x1  }
0xa3: {  	[sflag:s23] =	ssyncset.done $0x0  }
0xa4: {  	s25 =	simm.s32 $0x1B8E;
	s24 =	sld [smem:$0x3FFE];
	[sflag:s23] =	ssyncadd.s32 $0xFFFFFFFF  }
0xa5: {  	s26 =	simm.s32 $execute0_lowered;
	[smem:$0x3FD2] =	sst s25  }
0xa6: {  	s4 =	sshll.u32 s26, $0x1;
	_ =	strace $0x80000046;
	[dreg:$0x1] =	wrdreg $0xFFFFFFFF  }
0xa7: {  	s28 =	simm.s32 $_size_execute0_lowered;
	s2 =	sadd.s32 s2, s4;
	[dreg:$0x0] =	wrdreg $0x0  }
0xa8: {  	s4 =	sshll.u32 s28, $0x1;
	[dreg:$0x2] =	wrdreg s2  }
0xa9: {  	[dreg:$0x3] =	wrdreg s4  }
0xaa: {  	[dreg:$0x4] =	wrdreg $0xC0  }
0xab: {  	_ =	task [dreg:s6], $0x5FFFF  }
0xac: {  	[dreg:$0x1] =	wrdreg $0xFFFFFFFF  }
0xad: {  	[dreg:$0x0] =	wrdreg $0x60  }
0xae: {  	[dreg:$0x2] =	wrdreg s24  }
0xaf: {  	[dreg:$0x3] =	wrdreg $0x9  }
0xb0: {  	_ =	task.clear_ibuf [dreg:s6], $0x4FFFF;
	_ =	strace $0x90000046  }
0xb1: {  	s29 =	simm.s32 $0x9;
	_ =	strace $0x80000048  }
0xb2: {  	_ =	swait.ge [sflag:s29], $0x1  }
0xb3: {  	[sflag:s29] =	ssyncadd.s32 $0xFFFFFFFF  }
0xb4: {  	_ =	strace $0x90000048  }
0xb5: {  	_ =	sfence  }
0xb6: {  	s30 =	sld [smem:$0x0];
	_ =	sdelay $0x2  }
0xb7: {  	s31 =	sshll.u32 s1, $0xD;
	s1 =	sshrl.u32 s1, $0x2  }
0xb8: {  	s3 =	sand.u32 $0x4000, s31;
	s1 =	sadd.s32 s1, s30  }
0xb9: {  	s0 =	sor.u32 s3, s0;
	s1 =	sshll.u32 s1, $0x11  }
0xba: {  	s0 =	sor.u32 s1, s0  }
0xbb: {  	s0 =	sadd.s32 $0x8F2B, s0  }
0xbc: {  	[sflag:s0] =	ssyncadd.remote.s32 $0x1  }
0xbd: {  	_ =	sfence.sel $0xFFFF  }
0xbe: {  	[dreg:$0x0] =	wrdreg $0xFFFFFFFF;
	(pc) =	sbr.abs _section_cstart, $3  }
0xbf: {  	[dreg:$0x1] =	wrdreg $0xFFFFFFFF  }
0xc0: {  	_ =	task.clear_ibuf [dreg:s6], $0x2FFFF;
	_ =	strace $0x9FFFFFFF  }
0xc1: {  	(tm) =	ssettm $0x7FFFFFFF  }
tec
execute0_lowered:
.L_overlay_start_1:
0x0: {  	(tag) =	ssettag $0x1  }
0x1: {  	s7 =	rddreg [dreg:$0x0]  }
0x2: {  	s0 =	rddreg [dreg:$0x1]  }
0x3: {  	s1 =	simm.s32 $0x0;
	s3 =	srdreg.scid;
	s11 =	simm.s32 $0x2A0  }
0x4: {  	s12 =	simm.s32 $0x520;
	s13 =	simm.s32 $0x280;
	s14 =	simm.s32 $0xAD20  }
0x5: {  	s15 =	simm.s32 $0x1;
	s16 =	simm.s32 $0x2;
	s17 =	simm.s32 $0x14D20  }
0x6: {  	s18 =	simm.s32 $0x0;
	[smem:$0x7FF] =	sst s1;
	s2 =	sadd.s32 $0x3E00, s7  }
0x7: {  	s8 =	sand.u32 $0x1, s3;
	s4 =	sadd.s32 $0xE600, s7;
	s5 =	sadd.s32 $0x19F000, s7  }
0x8: {  	s6 =	sadd.s32 $0x3E9000, s7;
	s3 =	stileid.u32;
	s9 =	ssub.s32 $0x2, s8  }
0x9: {  	s7 =	sadd.s32 $0x4AC600, s7;
	_ =	strace $0x80000047;
	s10 =	sshrl.u32 s9, $0x1  }
0xa: {  	s31 =	sshll.u32 s3, $0xA;
	s8 =	sshll.u32 s8, $0x9;
	s9 =	ssub.s32 s9, s10  }
0xb: {  	s8 =	sor.u32 s8, s31;
	s10 =	simm.s32 $0x3;
	s9 =	smax.u32 s9, $0x1  }
.LBB2_1:
0xc: {  	s19 =	simm.s32 $0x0  }
.LBB2_2:
0xd: {  	s20 =	sshll.u32 s19, $0x5  }
0xe: {  	s20 =	sadd.s32 s8, s20  }
0xf: {  	s21 =	smul.u32 $0x15, s20;
	_ =	sdelay $0x1  }
0x10: {  	s21 =	sshrl.u32 s21, $0x3  }
0x11: {  	s22 =	simm.s32 $0x0;
	s31 =	smul.u32 $0x14, s20;
	s21 =	sadd.s32 s2, s21  }
0x12: {  	[tilespmem:s22], [sflag:$0x3] =	stream.linear.gather [hbm4b:s21+s22], $0x2A0, $0x38;
	[tilespmem:$0x17720] =	vst v63  }
0x13: {  	_ =	swait.ge [sflag:s10], $0x2A0  }
0x14: {  	s21 =	sshrl.u32 s31, $0x3;
	[sflag:s10] =	ssyncset.done $0x0  }
0x15: {  	s21 =	sadd.s32 s4, s21;
	[sflag:s10] =	ssyncadd.s32 $0xFFFFFD60  }
0x16: {  	[tilespmem:s11], [sflag:$0x3] =	stream.linear.gather [hbm4b:s21+s22], $0x280, $0x38;
	[tilespmem:$0x17720] =	vst v63  }
0x17: {  	_ =	swait.ge [sflag:s10], $0x280  }
0x18: {  	[sflag:s10] =	ssyncset.done $0x0  }
0x19: {  	[sflag:s10] =	ssyncadd.s32 $0xFFFFFD80  }
0x1a: {  	[tilespmem:s12], [sflag:$0x1] =	stream.indirect.gather [hbm4b:s5+s11], $0x40, s22, s11, $0xb8;
	[tilespmem:$0x17720] =	vst v63  }
0x1b: {  	_ = 	snop  }
0x1c: {  	[tilespmem:s14], [sflag:$0x2] =	stream.indirect.gather [hbm4b:s6+s13], $0x40, s11, s13, $0xb8;
	[tilespmem:$0x17720] =	vst v63  }
0x1d: {  	_ =	swait.ge [sflag:s15], $0xA800  }
0x1e: {  	[sflag:s15] =	ssyncset.done $0x0  }
0x1f: {  	[sflag:s15] =	ssyncadd.s32 $0xFFFF5800  }
0x20: {  	_ =	swait.ge [sflag:s16], $0xA000  }
0x21: {  	[sflag:s16] =	ssyncset.done $0x0  }
0x22: {  	s21 =	simm.s32 $0xAFA0;
	[sflag:s16] =	ssyncadd.s32 $0xFFFF6000  }
0x23: {  	s22 =	simm.s32 $0x7C0;
	v2 =	vld [tilespmem:s21+$0x260]  }
0x24: {  	v3 =	vld [tilespmem:s22+$0xFFFFFD70]  }
0x25: {  	v4 =	vld [tilespmem:s21+$0x220]  }
0x26: {  	v0 =	vld [tilespmem:s21+$0x250]  }
0x27: {  	v1 =	vld [tilespmem:s21+$0x1E0]  }
0x28: {  	v6 =	vld [tilespmem:s21+$0x1A0]  }
0x29: {  	v5 =	vld [tilespmem:s21+$0x200]  }
0x2a: {  	v8 =	vld [tilespmem:s21+$0x160]  }
0x2b: {  	v7 =	vld [tilespmem:s21+$0x1C0]  }
0x2c: {  	v9 =	vld [tilespmem:s21+$0x120]  }
0x2d: {  	v10 =	vld [tilespmem:s21+$0x180]  }
0x2e: {  	v11 =	vld [tilespmem:s21+$0xE0]  }
0x2f: {  	v12 =	vld [tilespmem:s21+$0x140]  }
0x30: {  	v13 =	vld [tilespmem:s21+$0xA0]  }
0x31: {  	v14 =	vld [tilespmem:s21+$0x100]  }
0x32: {  	v15 =	vld [tilespmem:s21+$0x60]  }
0x33: {  	v16 =	vld [tilespmem:s21+$0xC0]  }
0x34: {  	v17 =	vld [tilespmem:s21+$0x20]  }
0x35: {  	v18 =	vld [tilespmem:s21+$0x80]  }
0x36: {  	v19 =	vld [tilespmem:s21+$0xFFFFFFE0]  }
0x37: {  	v20 =	vld [tilespmem:s21+$0x40]  }
0x38: {  	v21 =	vld [tilespmem:s21+$0xFFFFFFA0]  }
0x39: {  	v22 =	vld [tilespmem:s21+$0x0]  }
0x3a: {  	v23 =	vld [tilespmem:s21+$0xFFFFFF60]  }
0x3b: {  	v24 =	vld [tilespmem:s21+$0xFFFFFFC0]  }
0x3c: {  	v25 =	vld [tilespmem:s21+$0xFFFFFF20]  }
0x3d: {  	v26 =	vld [tilespmem:s21+$0xFFFFFF80]  }
0x3e: {  	v27 =	vld [tilespmem:s21+$0xFFFFFEE0]  }
0x3f: {  	v28 =	vld [tilespmem:s21+$0xFFFFFF40]  }
0x40: {  	v29 =	vld [tilespmem:s21+$0xFFFFFEA0]  }
0x41: {  	v30 =	vld [tilespmem:s21+$0xFFFFFF00]  }
0x42: {  	v31 =	vld [tilespmem:s21+$0xFFFFFE60]  }
0x43: {  	v32 =	vld [tilespmem:s21+$0xFFFFFEC0]  }
0x44: {  	v33 =	vld [tilespmem:s21+$0xFFFFFE20]  }
0x45: {  	v34 =	vld [tilespmem:s21+$0xFFFFFDF0]  }
0x46: {  	v35 =	vld [tilespmem:s21+$0xFFFFFE40]  }
0x47: {  	v36 =	vld [tilespmem:s21+$0xFFFFFE10]  }
0x48: {  	v37 =	vld [tilespmem:s21+$0xFFFFFE00]  }
0x49: {  	v38 =	vld [tilespmem:s21+$0xFFFFFD80]  }
0x4a: {  	v39 =	vld [tilespmem:s21+$0xFFFFFDC0]  }
0x4b: {  	v40 =	vld [tilespmem:s21+$0xFFFFFDD0]  }
0x4c: {  	v41 =	vld [tilespmem:s21+$0xFFFFFD90]  }
0x4d: {  	v42 =	vld [tilespmem:s21+$0xFFFFFDE0]  }
0x4e: {  	v43 =	vld [tilespmem:s21+$0xFFFFFDA0]  }
0x4f: {  	v44 =	vld [tilespmem:s21+$0xFFFFFE80]  }
0x50: {  	v45 =	vld [tilespmem:s21+$0xFFFFFE50]  }
0x51: {  	v56 =	vld [tilespmem:s21+$0xFFFFFDB0];
	v38 =	vadd.f32 v39, v38  }
0x52: {  	v57 =	vld [tilespmem:s21+$0xFFFFFE90];
	v40 =	vadd.f32 v40, v41  }
0x53: {  	v58 =	vld [tilespmem:s21+$0xFFFFFE30];
	v59 =	vadd.f32 v42, v43;
	v37 =	vadd.f32 v37, v38  }
0x54: {  	v60 =	vld [tilespmem:s21+$0xFFFFFED0];
	v36 =	vadd.f32 v36, v40  }
0x55: {  	v61 =	vld [tilespmem:s21+$0xFFFFFE70];
	v33 =	vadd.f32 v33, v59;
	v35 =	vadd.f32 v35, v37  }
0x56: {  	v62 =	vld [tilespmem:s21+$0xFFFFFF10];
	v34 =	vadd.f32 v34, v56;
	v36 =	vadd.f32 v45, v36  }
0x57: {  	v63 =	vld [tilespmem:s21+$0xFFFFFEB0];
	v31 =	vadd.f32 v31, v33;
	v35 =	vadd.f32 v44, v35  }
0x58: {  	v46 =	vld [tilespmem:s21+$0xFFFFFEF0];
	v34 =	vadd.f32 v58, v34;
	v36 =	vadd.f32 v57, v36  }
0x59: {  	v44 =	vld [tilespmem:s21+$0xFFFFFF50];
	v29 =	vadd.f32 v29, v31;
	v32 =	vadd.f32 v32, v35  }
0x5a: {  	v47 =	vld [tilespmem:s21+$0xFFFFFF90];
	v34 =	vadd.f32 v61, v34;
	v45 =	vadd.f32 v60, v36  }
0x5b: {  	v49 =	vld [tilespmem:s21+$0xFFFFFF30];
	v27 =	vadd.f32 v27, v29;
	v30 =	vadd.f32 v30, v32  }
0x5c: {  	v50 =	vld [tilespmem:s21+$0xFFFFFFD0];
	v34 =	vadd.f32 v63, v34;
	v48 =	vadd.f32 v62, v45  }
0x5d: {  	v52 =	vld [tilespmem:s21+$0xFFFFFF70];
	v25 =	vadd.f32 v25, v27;
	v28 =	vadd.f32 v28, v30  }
0x5e: {  	v54 =	vld [tilespmem:s21+$0x10];
	v53 =	vadd.f32 v46, v34;
	v51 =	vadd.f32 v44, v48  }
0x5f: {  	v56 =	vld [tilespmem:s21+$0xFFFFFFB0];
	v23 =	vadd.f32 v23, v25;
	v26 =	vadd.f32 v26, v28  }
0x60: {  	v58 =	vld [tilespmem:s21+$0x50];
	v57 =	vadd.f32 v49, v53;
	v55 =	vadd.f32 v47, v51  }
0x61: {  	v60 =	vld [tilespmem:s21+$0xFFFFFFF0];
	v21 =	vadd.f32 v21, v23;
	v24 =	vadd.f32 v24, v26  }
0x62: {  	v31 =	vld [tilespmem:s21+$0x30];
	v61 =	vadd.f32 v52, v57;
	v59 =	vadd.f32 v50, v55  }
0x63: {  	v62 =	vld [tilespmem:s21+$0x90];
	v19 =	vadd.f32 v19, v21;
	v22 =	vadd.f32 v22, v24  }
0x64: {  	v33 =	vld [tilespmem:s21+$0xD0];
	v32 =	vadd.f32 v56, v61;
	v63 =	vadd.f32 v54, v59  }
0x65: {  	v35 =	vld [tilespmem:s21+$0x70];
	v17 =	vadd.f32 v17, v19;
	v20 =	vadd.f32 v20, v22  }
0x66: {  	v39 =	vld [tilespmem:s21+$0xB0];
	v36 =	vadd.f32 v60, v32;
	v34 =	vadd.f32 v58, v63  }
0x67: {  	v37 =	vld [tilespmem:s21+$0x110];
	v15 =	vadd.f32 v15, v17;
	v18 =	vadd.f32 v18, v20  }
0x68: {  	v41 =	vld [tilespmem:s21+$0x150];
	v40 =	vadd.f32 v31, v36;
	v38 =	vadd.f32 v62, v34  }
0x69: {  	v43 =	vld [tilespmem:s21+$0xF0];
	v13 =	vadd.f32 v13, v15;
	v16 =	vadd.f32 v16, v18  }
0x6a: {  	v45 =	vld [tilespmem:s21+$0x190];
	v44 =	vadd.f32 v35, v40;
	v42 =	vadd.f32 v33, v38  }
0x6b: {  	v47 =	vld [tilespmem:s21+$0x130];
	v11 =	vadd.f32 v11, v13;
	v14 =	vadd.f32 v14, v16  }
0x6c: {  	v49 =	vld [tilespmem:s21+$0x1D0];
	v48 =	vadd.f32 v39, v44;
	v46 =	vadd.f32 v37, v42  }
0x6d: {  	v51 =	vld [tilespmem:s21+$0x170];
	v9 =	vadd.f32 v9, v11;
	v12 =	vadd.f32 v12, v14  }
0x6e: {  	v53 =	vld [tilespmem:s21+$0x210];
	v52 =	vadd.f32 v43, v48;
	v50 =	vadd.f32 v41, v46  }
0x6f: {  	v55 =	vld [tilespmem:s21+$0x1B0];
	v8 =	vadd.f32 v8, v9;
	v10 =	vadd.f32 v10, v12  }
0x70: {  	v57 =	vld [tilespmem:s21+$0x240];
	v56 =	vadd.f32 v47, v52;
	v54 =	vadd.f32 v45, v50  }
0x71: {  	v59 =	vld [tilespmem:s21+$0x1F0];
	v6 =	vadd.f32 v6, v8;
	v7 =	vadd.f32 v7, v10  }
0x72: {  	v60 =	vadd.f32 v51, v56;
	v8 =	vld [tilespmem:s22+$0xFFFFFD60];
	v58 =	vadd.f32 v49, v54  }
0x73: {  	v61 =	vld [tilespmem:s21+$0x230];
	v6 =	vadd.f32 v1, v6;
	v5 =	vadd.f32 v5, v7  }
0x74: {  	v63 =	vld [tilespmem:s22+$0xFFFFFD80];
	v62 =	vadd.f32 v55, v60;
	v7 =	vadd.f32 v53, v58  }
0x75: {  	v4 =	vadd.f32 v4, v6;
	v1 =	vadd.f32 v57, v5;
	v5 =	vld [tilespmem:s21+$0x270]  }
0x76: {  	v0 =	vadd.f32 v0, v7;
	v7 =	vadd.f32 v59, v62  }
0x77: {  	v6 =	vmul.f32 v8, v1;
	v8 =	vld [tilespmem:s22+$0xFFFFFD90]  }
0x78: {  	v2 =	vadd.f32 v2, v4;
	v3 =	vmul.f32 v3, v0;
	v7 =	vadd.f32 v61, v7;
	_ =	sdelay $0x1  }
0x79: {  	v4 =	vadd.f32 v3, v6;
	v3 =	vadd.f32 v5, v7;
	v5 =	vmul.f32 v63, v2;
	_ =	sdelay $0x1  }
0x7a: {  	v4 =	vadd.f32 v5, v4;
	v5 =	vmul.f32 v8, v3;
	_ =	sdelay $0x1  }
0x7b: {  	v4 =	vadd.f32 v5, v4  }
0x7c: {  	s25 =	simm.s32 $0x0  }
0x7d: {  	[tilespmem:s25+$0x14D20] =	vst v4  }
0x7e: {  	v4 =	vld [tilespmem:s22+$0xFFFFFDA0]  }
0x7f: {  	v5 =	vld [tilespmem:s22+$0xFFFFFDB0];
	_ =	sdelay $0x1  }
0x80: {  	v6 =	vld [tilespmem:s22+$0xFFFFFDC0];
	_ =	sdelay $0x1  }
0x81: {  	v7 =	vld [tilespmem:s22+$0xFFFFFDD0]  }
0x82: {  	v4 =	vmul.f32 v4, v1;
	v5 =	vmul.f32 v5, v0;
	_ =	sdelay $0x1  }
0x83: {  	v4 =	vadd.f32 v5, v4;
	v5 =	vmul.f32 v6, v2;
	_ =	sdelay $0x1  }
0x84: {  	v4 =	vadd.f32 v5, v4;
	v5 =	vmul.f32 v7, v3;
	_ =	sdelay $0x1  }
0x85: {  	v4 =	vadd.f32 v5, v4;
	_ =	sdelay $0x1  }
0x86: {  	[tilespmem:s25+$0x14D30] =	vst v4  }
0x87: {  	v4 =	vld [tilespmem:s22+$0xFFFFFDE0]  }
0x88: {  	v5 =	vld [tilespmem:s22+$0xFFFFFDF0];
	_ =	sdelay $0x1  }
0x89: {  	v6 =	vld [tilespmem:s22+$0xFFFFFE00];
	_ =	sdelay $0x1  }
0x8a: {  	v7 =	vld [tilespmem:s22+$0xFFFFFE10]  }
0x8b: {  	v4 =	vmul.f32 v4, v1;
	v5 =	vmul.f32 v5, v0;
	_ =	sdelay $0x1  }
0x8c: {  	v6 =	vmul.f32 v6, v2;
	v4 =	vadd.f32 v5, v4;
	_ =	sdelay $0x1  }
0x8d: {  	v5 =	vmul.f32 v7, v3;
	v4 =	vadd.f32 v6, v4;
	_ =	sdelay $0x1  }
0x8e: {  	v4 =	vadd.f32 v5, v4;
	_ =	sdelay $0x1  }
0x8f: {  	[tilespmem:s25+$0x14D40] =	vst v4  }
0x90: {  	v4 =	vld [tilespmem:s22+$0xFFFFFE20]  }
0x91: {  	v5 =	vld [tilespmem:s22+$0xFFFFFE30];
	_ =	sdelay $0x1  }
0x92: {  	v6 =	vld [tilespmem:s22+$0xFFFFFE40];
	_ =	sdelay $0x1  }
0x93: {  	v7 =	vld [tilespmem:s22+$0xFFFFFE50]  }
0x94: {  	v4 =	vmul.f32 v4, v1;
	v5 =	vmul.f32 v5, v0;
	_ =	sdelay $0x1  }
0x95: {  	v4 =	vadd.f32 v5, v4;
	v5 =	vmul.f32 v6, v2;
	_ =	sdelay $0x1  }
0x96: {  	v4 =	vadd.f32 v5, v4;
	v5 =	vmul.f32 v7, v3;
	_ =	sdelay $0x1  }
0x97: {  	v4 =	vadd.f32 v5, v4;
	_ =	sdelay $0x1  }
0x98: {  	[tilespmem:s25+$0x14D50] =	vst v4  }
0x99: {  	v4 =	vld [tilespmem:s22+$0xFFFFFE60]  }
0x9a: {  	v5 =	vld [tilespmem:s22+$0xFFFFFE70];
	_ =	sdelay $0x1  }
0x9b: {  	v6 =	vld [tilespmem:s22+$0xFFFFFE80];
	_ =	sdelay $0x1  }
0x9c: {  	v7 =	vld [tilespmem:s22+$0xFFFFFE90]  }
0x9d: {  	v4 =	vmul.f32 v4, v1;
	v5 =	vmul.f32 v5, v0;
	_ =	sdelay $0x1  }
0x9e: {  	v6 =	vmul.f32 v6, v2;
	v4 =	vadd.f32 v5, v4;
	_ =	sdelay $0x1  }
0x9f: {  	v5 =	vmul.f32 v7, v3;
	v4 =	vadd.f32 v6, v4;
	_ =	sdelay $0x1  }
0xa0: {  	v4 =	vadd.f32 v5, v4;
	_ =	sdelay $0x1  }
0xa1: {  	[tilespmem:s25+$0x14D60] =	vst v4  }
0xa2: {  	v4 =	vld [tilespmem:s22+$0xFFFFFEA0]  }
0xa3: {  	v5 =	vld [tilespmem:s22+$0xFFFFFEB0];
	_ =	sdelay $0x1  }
0xa4: {  	v6 =	vld [tilespmem:s22+$0xFFFFFEC0];
	_ =	sdelay $0x1  }
0xa5: {  	v7 =	vld [tilespmem:s22+$0xFFFFFED0]  }
0xa6: {  	v4 =	vmul.f32 v4, v1;
	v5 =	vmul.f32 v5, v0;
	_ =	sdelay $0x1  }
0xa7: {  	v6 =	vmul.f32 v6, v2;
	v4 =	vadd.f32 v5, v4;
	_ =	sdelay $0x1  }
0xa8: {  	v5 =	vmul.f32 v7, v3;
	v4 =	vadd.f32 v6, v4;
	_ =	sdelay $0x1  }
0xa9: {  	v4 =	vadd.f32 v5, v4;
	_ =	sdelay $0x1  }
0xaa: {  	[tilespmem:s25+$0x14D70] =	vst v4  }
0xab: {  	v4 =	vld [tilespmem:s22+$0xFFFFFEE0]  }
0xac: {  	v5 =	vld [tilespmem:s22+$0xFFFFFEF0];
	_ =	sdelay $0x1  }
0xad: {  	v6 =	vld [tilespmem:s22+$0xFFFFFF00];
	_ =	sdelay $0x1  }
0xae: {  	v7 =	vld [tilespmem:s22+$0xFFFFFF10]  }
0xaf: {  	v4 =	vmul.f32 v4, v1;
	v5 =	vmul.f32 v5, v0;
	_ =	sdelay $0x1  }
0xb0: {  	v6 =	vmul.f32 v6, v2;
	v4 =	vadd.f32 v5, v4;
	_ =	sdelay $0x1  }
0xb1: {  	v5 =	vmul.f32 v7, v3;
	v4 =	vadd.f32 v6, v4;
	_ =	sdelay $0x1  }
0xb2: {  	v4 =	vadd.f32 v5, v4;
	_ =	sdelay $0x1  }
0xb3: {  	[tilespmem:s25+$0x14D80] =	vst v4  }
0xb4: {  	v4 =	vld [tilespmem:s22+$0xFFFFFF20]  }
0xb5: {  	v5 =	vld [tilespmem:s22+$0xFFFFFF30];
	_ =	sdelay $0x1  }
0xb6: {  	v6 =	vld [tilespmem:s22+$0xFFFFFF40];
	_ =	sdelay $0x1  }
0xb7: {  	v7 =	vld [tilespmem:s22+$0xFFFFFF50]  }
0xb8: {  	v4 =	vmul.f32 v4, v1;
	v5 =	vmul.f32 v5, v0;
	_ =	sdelay $0x1  }
0xb9: {  	v4 =	vadd.f32 v5, v4;
	v5 =	vmul.f32 v6, v2;
	_ =	sdelay $0x1  }
0xba: {  	v4 =	vadd.f32 v5, v4;
	v5 =	vmul.f32 v7, v3;
	_ =	sdelay $0x1  }
0xbb: {  	v4 =	vadd.f32 v5, v4;
	_ =	sdelay $0x1  }
0xbc: {  	[tilespmem:s25+$0x14D90] =	vst v4  }
0xbd: {  	v4 =	vld [tilespmem:s22+$0xFFFFFF60]  }
0xbe: {  	v5 =	vld [tilespmem:s22+$0xFFFFFF70];
	_ =	sdelay $0x1  }
0xbf: {  	v6 =	vld [tilespmem:s22+$0xFFFFFF80];
	_ =	sdelay $0x1  }
0xc0: {  	v7 =	vld [tilespmem:s22+$0xFFFFFF90]  }
0xc1: {  	v4 =	vmul.f32 v4, v1;
	v5 =	vmul.f32 v5, v0;
	_ =	sdelay $0x1  }
0xc2: {  	v6 =	vmul.f32 v6, v2;
	v4 =	vadd.f32 v5, v4;
	_ =	sdelay $0x1  }
0xc3: {  	v5 =	vmul.f32 v7, v3;
	v4 =	vadd.f32 v6, v4;
	_ =	sdelay $0x1  }
0xc4: {  	v4 =	vadd.f32 v5, v4;
	_ =	sdelay $0x1  }
0xc5: {  	[tilespmem:s25+$0x14DA0] =	vst v4  }
0xc6: {  	v4 =	vld [tilespmem:s22+$0xFFFFFFA0]  }
0xc7: {  	v5 =	vld [tilespmem:s22+$0xFFFFFFB0];
	_ =	sdelay $0x1  }
0xc8: {  	v6 =	vld [tilespmem:s22+$0xFFFFFFC0];
	_ =	sdelay $0x1  }
0xc9: {  	v7 =	vld [tilespmem:s22+$0xFFFFFFD0]  }
0xca: {  	v4 =	vmul.f32 v4, v1;
	v5 =	vmul.f32 v5, v0;
	_ =	sdelay $0x1  }
0xcb: {  	v4 =	vadd.f32 v5, v4;
	v5 =	vmul.f32 v6, v2;
	_ =	sdelay $0x1  }
0xcc: {  	v4 =	vadd.f32 v5, v4;
	v5 =	vmul.f32 v7, v3;
	_ =	sdelay $0x1  }
0xcd: {  	v4 =	vadd.f32 v5, v4;
	_ =	sdelay $0x1  }
0xce: {  	[tilespmem:s25+$0x14DB0] =	vst v4  }
0xcf: {  	v4 =	vld [tilespmem:s22+$0xFFFFFFE0]  }
0xd0: {  	v5 =	vld [tilespmem:s22+$0xFFFFFFF0];
	_ =	sdelay $0x1  }
0xd1: {  	v6 =	vld [tilespmem:s22+$0x0];
	_ =	sdelay $0x1  }
0xd2: {  	v7 =	vld [tilespmem:s22+$0x10]  }
0xd3: {  	v4 =	vmul.f32 v4, v1;
	v5 =	vmul.f32 v5, v0;
	_ =	sdelay $0x1  }
0xd4: {  	v6 =	vmul.f32 v6, v2;
	v4 =	vadd.f32 v5, v4;
	_ =	sdelay $0x1  }
0xd5: {  	v5 =	vmul.f32 v7, v3;
	v4 =	vadd.f32 v6, v4;
	_ =	sdelay $0x1  }
0xd6: {  	v4 =	vadd.f32 v5, v4;
	_ =	sdelay $0x1  }
0xd7: {  	[tilespmem:s25+$0x14DC0] =	vst v4  }
0xd8: {  	v4 =	vld [tilespmem:s22+$0x20]  }
0xd9: {  	v5 =	vld [tilespmem:s22+$0x30];
	_ =	sdelay $0x1  }
0xda: {  	v6 =	vld [tilespmem:s22+$0x40];
	_ =	sdelay $0x1  }
0xdb: {  	v7 =	vld [tilespmem:s22+$0x50]  }
0xdc: {  	v4 =	vmul.f32 v4, v1;
	v5 =	vmul.f32 v5, v0;
	_ =	sdelay $0x1  }
0xdd: {  	v6 =	vmul.f32 v6, v2;
	v4 =	vadd.f32 v5, v4;
	_ =	sdelay $0x1  }
0xde: {  	v5 =	vmul.f32 v7, v3;
	v4 =	vadd.f32 v6, v4;
	_ =	sdelay $0x1  }
0xdf: {  	v4 =	vadd.f32 v5, v4;
	_ =	sdelay $0x1  }
0xe0: {  	[tilespmem:s25+$0x14DD0] =	vst v4  }
0xe1: {  	v4 =	vld [tilespmem:s22+$0x60]  }
0xe2: {  	v5 =	vld [tilespmem:s22+$0x70];
	_ =	sdelay $0x1  }
0xe3: {  	v6 =	vld [tilespmem:s22+$0x80];
	_ =	sdelay $0x1  }
0xe4: {  	v7 =	vld [tilespmem:s22+$0x90]  }
0xe5: {  	v4 =	vmul.f32 v4, v1;
	v5 =	vmul.f32 v5, v0;
	_ =	sdelay $0x1  }
0xe6: {  	v4 =	vadd.f32 v5, v4;
	v5 =	vmul.f32 v6, v2;
	_ =	sdelay $0x1  }
0xe7: {  	v4 =	vadd.f32 v5, v4;
	v5 =	vmul.f32 v7, v3;
	_ =	sdelay $0x1  }
0xe8: {  	v4 =	vadd.f32 v5, v4;
	_ =	sdelay $0x1  }
0xe9: {  	[tilespmem:s25+$0x14DE0] =	vst v4  }
0xea: {  	v4 =	vld [tilespmem:s22+$0xA0]  }
0xeb: {  	v5 =	vld [tilespmem:s22+$0xB0];
	_ =	sdelay $0x1  }
0xec: {  	v6 =	vld [tilespmem:s22+$0xC0];
	_ =	sdelay $0x1  }
0xed: {  	v7 =	vld [tilespmem:s22+$0xD0]  }
0xee: {  	v4 =	vmul.f32 v4, v1;
	v5 =	vmul.f32 v5, v0;
	_ =	sdelay $0x1  }
0xef: {  	v6 =	vmul.f32 v6, v2;
	v4 =	vadd.f32 v5, v4;
	_ =	sdelay $0x1  }
0xf0: {  	v5 =	vmul.f32 v7, v3;
	v4 =	vadd.f32 v6, v4;
	_ =	sdelay $0x1  }
0xf1: {  	v4 =	vadd.f32 v5, v4;
	_ =	sdelay $0x1  }
0xf2: {  	[tilespmem:s25+$0x14DF0] =	vst v4  }
0xf3: {  	v4 =	vld [tilespmem:s22+$0xE0]  }
0xf4: {  	v5 =	vld [tilespmem:s22+$0xF0];
	_ =	sdelay $0x1  }
0xf5: {  	v6 =	vld [tilespmem:s22+$0x100];
	_ =	sdelay $0x1  }
0xf6: {  	v7 =	vld [tilespmem:s22+$0x110]  }
0xf7: {  	v4 =	vmul.f32 v4, v1;
	v5 =	vmul.f32 v5, v0;
	_ =	sdelay $0x1  }
0xf8: {  	v6 =	vmul.f32 v6, v2;
	v4 =	vadd.f32 v5, v4;
	_ =	sdelay $0x1  }
0xf9: {  	v5 =	vmul.f32 v7, v3;
	v4 =	vadd.f32 v6, v4;
	_ =	sdelay $0x1  }
0xfa: {  	v4 =	vadd.f32 v5, v4;
	_ =	sdelay $0x1  }
0xfb: {  	[tilespmem:s25+$0x14E00] =	vst v4  }
0xfc: {  	v4 =	vld [tilespmem:s22+$0x130]  }
0xfd: {  	v5 =	vld [tilespmem:s22+$0x120];
	_ =	sdelay $0x1  }
0xfe: {  	v6 =	vld [tilespmem:s22+$0x140];
	_ =	sdelay $0x1  }
0xff: {  	v7 =	vld [tilespmem:s22+$0x150]  }
0x100: {  	v4 =	vmul.f32 v4, v0;
	v5 =	vmul.f32 v5, v1;
	_ =	sdelay $0x1  }
0x101: {  	v6 =	vmul.f32 v6, v2;
	v4 =	vadd.f32 v4, v5;
	_ =	sdelay $0x1  }
0x102: {  	v5 =	vmul.f32 v7, v3;
	v4 =	vadd.f32 v6, v4;
	_ =	sdelay $0x1  }
0x103: {  	v4 =	vadd.f32 v5, v4;
	_ =	sdelay $0x1  }
0x104: {  	[tilespmem:s25+$0x14E10] =	vst v4  }
0x105: {  	v4 =	vld [tilespmem:s22+$0x160]  }
0x106: {  	v5 =	vld [tilespmem:s22+$0x170];
	_ =	sdelay $0x1  }
0x107: {  	v6 =	vld [tilespmem:s22+$0x180];
	_ =	sdelay $0x1  }
0x108: {  	v7 =	vld [tilespmem:s22+$0x190]  }
0x109: {  	v4 =	vmul.f32 v4, v1;
	v5 =	vmul.f32 v5, v0;
	_ =	sdelay $0x1  }
0x10a: {  	v6 =	vmul.f32 v6, v2;
	v4 =	vadd.f32 v5, v4;
	_ =	sdelay $0x1  }
0x10b: {  	v5 =	vmul.f32 v7, v3;
	v4 =	vadd.f32 v6, v4;
	_ =	sdelay $0x1  }
0x10c: {  	v4 =	vadd.f32 v5, v4;
	_ =	sdelay $0x1  }
0x10d: {  	[tilespmem:s25+$0x14E20] =	vst v4  }
0x10e: {  	v4 =	vld [tilespmem:s22+$0x1A0]  }
0x10f: {  	v5 =	vld [tilespmem:s22+$0x1B0];
	_ =	sdelay $0x1  }
0x110: {  	v6 =	vld [tilespmem:s22+$0x1C0];
	_ =	sdelay $0x1  }
0x111: {  	v7 =	vld [tilespmem:s22+$0x1D0]  }
0x112: {  	v4 =	vmul.f32 v4, v1;
	v5 =	vmul.f32 v5, v0;
	_ =	sdelay $0x1  }
0x113: {  	v6 =	vmul.f32 v6, v2;
	v4 =	vadd.f32 v5, v4;
	_ =	sdelay $0x1  }
0x114: {  	v5 =	vmul.f32 v7, v3;
	v4 =	vadd.f32 v6, v4;
	_ =	sdelay $0x1  }
0x115: {  	v4 =	vadd.f32 v5, v4;
	_ =	sdelay $0x1  }
0x116: {  	[tilespmem:s25+$0x14E30] =	vst v4  }
0x117: {  	v4 =	vld [tilespmem:s22+$0x1E0]  }
0x118: {  	v5 =	vld [tilespmem:s22+$0x1F0];
	_ =	sdelay $0x1  }
0x119: {  	v6 =	vld [tilespmem:s22+$0x200];
	_ =	sdelay $0x1  }
0x11a: {  	v7 =	vld [tilespmem:s22+$0x210]  }
0x11b: {  	v4 =	vmul.f32 v4, v1;
	v5 =	vmul.f32 v5, v0;
	_ =	sdelay $0x1  }
0x11c: {  	v6 =	vmul.f32 v6, v2;
	v4 =	vadd.f32 v5, v4;
	_ =	sdelay $0x1  }
0x11d: {  	v5 =	vmul.f32 v7, v3;
	v4 =	vadd.f32 v6, v4;
	_ =	sdelay $0x1  }
0x11e: {  	v4 =	vadd.f32 v5, v4;
	_ =	sdelay $0x1  }
0x11f: {  	[tilespmem:s25+$0x14E40] =	vst v4  }
0x120: {  	v7 =	vld [tilespmem:s22+$0x220]  }
0x121: {  	v6 =	vld [tilespmem:s22+$0x230]  }
0x122: {  	v5 =	vld [tilespmem:s22+$0x240];
	_ =	sdelay $0x2  }
0x123: {  	s24 =	simm.s32 $0x540;
	s23 =	simm.s32 $0x7C0;
	v4 =	vld [tilespmem:s22+$0x250];
	v7 =	vmul.f32 v7, v1  }
.LBB2_3:
0x124: {  	p0 =	sne.s32 s24, $0xA2C0;
	v6 =	vmul.f32 v6, v0;
	s22 =	sadd.s32 $0x540, s22;
	s21 =	sadd.s32 $0x500, s21  }
0x125: {  	s26 =	smov.u32 s24;
	s24 =	sadd.s32 $0x540, s24;
	v5 =	vmul.f32 v5, v2  }
0x126: {  	v6 =	vadd.f32 v6, v7;
	_ =	sdelay $0x1  }
0x127: {  	v4 =	vmul.f32 v4, v3;
	v5 =	vadd.f32 v5, v6;
	_ =	sdelay $0x1  }
0x128: {  	v4 =	vadd.f32 v4, v5;
	_ =	sdelay $0x1  }
0x129: {  	[tilespmem:s25+$0x14E50] =	vst v4  }
0x12a: {  	v4 =	vld [tilespmem:s23+$0x260]  }
0x12b: {  	v5 =	vld [tilespmem:s23+$0x270]  }
0x12c: {  	v6 =	vld [tilespmem:s23+$0x280]  }
0x12d: {  	v7 =	vld [tilespmem:s23+$0x290];
	s23 =	smov.u32 s22;
	_ =	sdelay $0x1  }
0x12e: {  	v1 =	vmul.f32 v4, v1  }
0x12f: {  	v0 =	vmul.f32 v5, v0  }
0x130: {  	v2 =	vmul.f32 v6, v2  }
0x131: {  	v0 =	vadd.f32 v0, v1  }
0x132: {  	v1 =	vmul.f32 v7, v3  }
0x133: {  	v0 =	vadd.f32 v2, v0;
	_ =	sdelay $0x1  }
0x134: {  	v0 =	vadd.f32 v1, v0;
	_ =	sdelay $0x1  }
0x135: {  	[tilespmem:s25+$0x14E60] =	vst v0  }
0x136: {  	v2 =	vld [tilespmem:s21+$0x260]  }
0x137: {  	v3 =	vld [tilespmem:s22+$0xFFFFFD70]  }
0x138: {  	v4 =	vld [tilespmem:s21+$0x220]  }
0x139: {  	v0 =	vld [tilespmem:s21+$0x250]  }
0x13a: {  	v1 =	vld [tilespmem:s21+$0x1E0]  }
0x13b: {  	v5 =	vld [tilespmem:s21+$0x1A0]  }
0x13c: {  	v6 =	vld [tilespmem:s21+$0x200]  }
0x13d: {  	v7 =	vld [tilespmem:s21+$0x160]  }
0x13e: {  	v8 =	vld [tilespmem:s21+$0x1C0]  }
0x13f: {  	v9 =	vld [tilespmem:s21+$0x120]  }
0x140: {  	v10 =	vld [tilespmem:s21+$0x180]  }
0x141: {  	v11 =	vld [tilespmem:s21+$0xE0]  }
0x142: {  	v12 =	vld [tilespmem:s21+$0x140]  }
0x143: {  	v13 =	vld [tilespmem:s21+$0xA0]  }
0x144: {  	v14 =	vld [tilespmem:s21+$0x100]  }
0x145: {  	v15 =	vld [tilespmem:s21+$0x60]  }
0x146: {  	v16 =	vld [tilespmem:s21+$0xC0]  }
0x147: {  	v17 =	vld [tilespmem:s21+$0x20]  }
0x148: {  	v18 =	vld [tilespmem:s21+$0x80]  }
0x149: {  	v19 =	vld [tilespmem:s21+$0xFFFFFFE0]  }
0x14a: {  	v20 =	vld [tilespmem:s21+$0x40]  }
0x14b: {  	v21 =	vld [tilespmem:s21+$0xFFFFFFA0]  }
0x14c: {  	v22 =	vld [tilespmem:s21+$0x0]  }
0x14d: {  	v23 =	vld [tilespmem:s21+$0xFFFFFF60]  }
0x14e: {  	v24 =	vld [tilespmem:s21+$0xFFFFFFC0]  }
0x14f: {  	v25 =	vld [tilespmem:s21+$0xFFFFFF20]  }
0x150: {  	v26 =	vld [tilespmem:s21+$0xFFFFFF80]  }
0x151: {  	v27 =	vld [tilespmem:s21+$0xFFFFFEE0]  }
0x152: {  	v28 =	vld [tilespmem:s21+$0xFFFFFF40]  }
0x153: {  	v29 =	vld [tilespmem:s21+$0xFFFFFEA0]  }
0x154: {  	v30 =	vld [tilespmem:s21+$0xFFFFFF00]  }
0x155: {  	v31 =	vld [tilespmem:s21+$0xFFFFFE60]  }
0x156: {  	v32 =	vld [tilespmem:s21+$0xFFFFFEC0]  }
0x157: {  	v33 =	vld [tilespmem:s21+$0xFFFFFE20]  }
0x158: {  	v34 =	vld [tilespmem:s21+$0xFFFFFDF0]  }
0x159: {  	v35 =	vld [tilespmem:s21+$0xFFFFFE40]  }
0x15a: {  	v36 =	vld [tilespmem:s21+$0xFFFFFE10]  }
0x15b: {  	v37 =	vld [tilespmem:s21+$0xFFFFFE00]  }
0x15c: {  	v38 =	vld [tilespmem:s21+$0xFFFFFD80]  }
0x15d: {  	v39 =	vld [tilespmem:s21+$0xFFFFFDC0]  }
0x15e: {  	v40 =	vld [tilespmem:s21+$0xFFFFFDD0]  }
0x15f: {  	v41 =	vld [tilespmem:s21+$0xFFFFFD90]  }
0x160: {  	v42 =	vld [tilespmem:s21+$0xFFFFFDE0]  }
0x161: {  	v43 =	vld [tilespmem:s21+$0xFFFFFDA0]  }
0x162: {  	v38 =	vadd.f32 v39, v38;
	v39 =	vld [tilespmem:s21+$0xFFFFFE80]  }
0x163: {  	v44 =	vld [tilespmem:s21+$0xFFFFFE50]  }
0x164: {  	v45 =	vld [tilespmem:s21+$0xFFFFFDB0];
	v40 =	vadd.f32 v40, v41;
	v37 =	vadd.f32 v37, v38  }
0x165: {  	v38 =	vld [tilespmem:s21+$0xFFFFFE90]  }
0x166: {  	v36 =	vadd.f32 v36, v40;
	v40 =	vld [tilespmem:s21+$0xFFFFFE30];
	v35 =	vadd.f32 v35, v37  }
0x167: {  	v37 =	vadd.f32 v42, v43;
	v41 =	vld [tilespmem:s21+$0xFFFFFED0]  }
0x168: {  	v36 =	vadd.f32 v44, v36;
	v42 =	vld [tilespmem:s21+$0xFFFFFE70];
	v35 =	vadd.f32 v39, v35  }
0x169: {  	v33 =	vadd.f32 v33, v37;
	v34 =	vadd.f32 v34, v45;
	v37 =	vld [tilespmem:s21+$0xFFFFFF10]  }
0x16a: {  	v36 =	vadd.f32 v38, v36;
	v38 =	vld [tilespmem:s21+$0xFFFFFEB0];
	v32 =	vadd.f32 v32, v35  }
0x16b: {  	v31 =	vadd.f32 v31, v33;
	v34 =	vadd.f32 v40, v34;
	v33 =	vld [tilespmem:s21+$0xFFFFFF50]  }
0x16c: {  	v35 =	vadd.f32 v41, v36;
	v36 =	vld [tilespmem:s21+$0xFFFFFEF0];
	v30 =	vadd.f32 v30, v32  }
0x16d: {  	v29 =	vadd.f32 v29, v31;
	v32 =	vadd.f32 v42, v34;
	v31 =	vld [tilespmem:s21+$0xFFFFFF90]  }
0x16e: {  	v34 =	vadd.f32 v37, v35;
	v35 =	vld [tilespmem:s21+$0xFFFFFF30];
	v28 =	vadd.f32 v28, v30  }
0x16f: {  	v27 =	vadd.f32 v27, v29;
	v30 =	vadd.f32 v38, v32;
	v29 =	vld [tilespmem:s21+$0xFFFFFFD0]  }
0x170: {  	v32 =	vadd.f32 v33, v34;
	v33 =	vld [tilespmem:s21+$0xFFFFFF70];
	v26 =	vadd.f32 v26, v28  }
0x171: {  	v25 =	vadd.f32 v25, v27;
	v28 =	vadd.f32 v36, v30;
	v27 =	vld [tilespmem:s21+$0x10]  }
0x172: {  	v30 =	vadd.f32 v31, v32;
	v31 =	vld [tilespmem:s21+$0xFFFFFFB0];
	v24 =	vadd.f32 v24, v26  }
0x173: {  	v23 =	vadd.f32 v23, v25;
	v26 =	vadd.f32 v35, v28;
	v25 =	vld [tilespmem:s21+$0x50]  }
0x174: {  	v28 =	vadd.f32 v29, v30;
	v29 =	vld [tilespmem:s21+$0xFFFFFFF0];
	v22 =	vadd.f32 v22, v24  }
0x175: {  	v21 =	vadd.f32 v21, v23;
	v24 =	vadd.f32 v33, v26;
	v23 =	vld [tilespmem:s21+$0x90]  }
0x176: {  	v26 =	vadd.f32 v27, v28;
	v27 =	vld [tilespmem:s21+$0x30];
	v20 =	vadd.f32 v20, v22  }
0x177: {  	v19 =	vadd.f32 v19, v21;
	v22 =	vadd.f32 v31, v24;
	v21 =	vld [tilespmem:s21+$0xD0]  }
0x178: {  	v24 =	vadd.f32 v25, v26;
	v25 =	vld [tilespmem:s21+$0x70];
	v18 =	vadd.f32 v18, v20  }
0x179: {  	v17 =	vadd.f32 v17, v19;
	v20 =	vadd.f32 v29, v22;
	v19 =	vld [tilespmem:s21+$0x110]  }
0x17a: {  	v22 =	vadd.f32 v23, v24;
	v23 =	vld [tilespmem:s21+$0xB0];
	v16 =	vadd.f32 v16, v18  }
0x17b: {  	v15 =	vadd.f32 v15, v17;
	v18 =	vadd.f32 v27, v20;
	v17 =	vld [tilespmem:s21+$0x150]  }
0x17c: {  	v20 =	vadd.f32 v21, v22;
	v21 =	vld [tilespmem:s21+$0xF0];
	v14 =	vadd.f32 v14, v16  }
0x17d: {  	v13 =	vadd.f32 v13, v15;
	v16 =	vadd.f32 v25, v18;
	v15 =	vld [tilespmem:s21+$0x190]  }
0x17e: {  	v18 =	vadd.f32 v19, v20;
	v19 =	vld [tilespmem:s21+$0x130];
	v12 =	vadd.f32 v12, v14  }
0x17f: {  	v11 =	vadd.f32 v11, v13;
	v14 =	vadd.f32 v23, v16;
	v13 =	vld [tilespmem:s21+$0x1D0]  }
0x180: {  	v16 =	vadd.f32 v17, v18;
	v17 =	vld [tilespmem:s21+$0x170];
	v10 =	vadd.f32 v10, v12  }
0x181: {  	v9 =	vadd.f32 v9, v11;
	v12 =	vadd.f32 v21, v14;
	v11 =	vld [tilespmem:s21+$0x210]  }
0x182: {  	v14 =	vadd.f32 v15, v16;
	v15 =	vld [tilespmem:s21+$0x1B0];
	v8 =	vadd.f32 v8, v10  }
0x183: {  	v7 =	vadd.f32 v7, v9;
	v10 =	vadd.f32 v19, v12;
	v9 =	vld [tilespmem:s21+$0x240]  }
0x184: {  	v12 =	vadd.f32 v13, v14;
	v13 =	vld [tilespmem:s21+$0x1F0];
	v6 =	vadd.f32 v6, v8  }
0x185: {  	v5 =	vadd.f32 v5, v7;
	v8 =	vadd.f32 v17, v10;
	v7 =	vld [tilespmem:s22+$0xFFFFFD60]  }
0x186: {  	v10 =	vadd.f32 v11, v12;
	v11 =	vld [tilespmem:s21+$0x230]  }
0x187: {  	v5 =	vadd.f32 v1, v5;
	v8 =	vadd.f32 v15, v8;
	v12 =	vld [tilespmem:s22+$0xFFFFFD80]  }
0x188: {  	v1 =	vadd.f32 v9, v6;
	v0 =	vadd.f32 v0, v10;
	v6 =	vld [tilespmem:s21+$0x270]  }
0x189: {  	v4 =	vadd.f32 v4, v5;
	v8 =	vadd.f32 v13, v8  }
0x18a: {  	v5 =	vmul.f32 v7, v1;
	v3 =	vmul.f32 v3, v0;
	v7 =	vld [tilespmem:s22+$0xFFFFFD90]  }
0x18b: {  	v2 =	vadd.f32 v2, v4;
	v8 =	vadd.f32 v11, v8  }
0x18c: {  	v4 =	vadd.f32 v3, v5  }
0x18d: {  	v5 =	vmul.f32 v12, v2;
	v3 =	vadd.f32 v6, v8;
	_ =	sdelay $0x1  }
0x18e: {  	v4 =	vadd.f32 v5, v4;
	v5 =	vmul.f32 v7, v3;
	_ =	sdelay $0x1  }
0x18f: {  	v4 =	vadd.f32 v5, v4  }
0x190: {  	s25 =	sshra.s32 s26, $0x2  }
0x191: {  	[tilespmem:s25+$0x14D20] =	vst v4  }
0x192: {  	v4 =	vld [tilespmem:s22+$0xFFFFFDA0]  }
0x193: {  	v5 =	vld [tilespmem:s22+$0xFFFFFDB0];
	_ =	sdelay $0x1  }
0x194: {  	v6 =	vld [tilespmem:s22+$0xFFFFFDC0];
	_ =	sdelay $0x1  }
0x195: {  	v4 =	vmul.f32 v4, v1;
	v7 =	vld [tilespmem:s22+$0xFFFFFDD0]  }
0x196: {  	v5 =	vmul.f32 v5, v0;
	_ =	sdelay $0x1  }
0x197: {  	v4 =	vadd.f32 v5, v4;
	v5 =	vmul.f32 v6, v2;
	_ =	sdelay $0x1  }
0x198: {  	v4 =	vadd.f32 v5, v4;
	v5 =	vmul.f32 v7, v3;
	_ =	sdelay $0x1  }
0x199: {  	v4 =	vadd.f32 v5, v4;
	_ =	sdelay $0x1  }
0x19a: {  	[tilespmem:s25+$0x14D30] =	vst v4  }
0x19b: {  	v4 =	vld [tilespmem:s22+$0xFFFFFDE0]  }
0x19c: {  	v5 =	vld [tilespmem:s22+$0xFFFFFDF0]  }
0x19d: {  	v6 =	vld [tilespmem:s22+$0xFFFFFE00]  }
0x19e: {  	v7 =	vld [tilespmem:s22+$0xFFFFFE10];
	_ =	sdelay $0x1  }
0x19f: {  	v4 =	vmul.f32 v4, v1  }
0x1a0: {  	v5 =	vmul.f32 v5, v0  }
0x1a1: {  	v6 =	vmul.f32 v6, v2  }
0x1a2: {  	v4 =	vadd.f32 v5, v4;
	_ =	sdelay $0x1  }
0x1a3: {  	v5 =	vmul.f32 v7, v3;
	v4 =	vadd.f32 v6, v4;
	_ =	sdelay $0x1  }
0x1a4: {  	v4 =	vadd.f32 v5, v4;
	_ =	sdelay $0x1  }
0x1a5: {  	[tilespmem:s25+$0x14D40] =	vst v4  }
0x1a6: {  	v4 =	vld [tilespmem:s22+$0xFFFFFE20];
	_ =	sdelay $0x1  }
0x1a7: {  	v5 =	vld [tilespmem:s22+$0xFFFFFE30];
	_ =	sdelay $0x1  }
0x1a8: {  	v6 =	vld [tilespmem:s22+$0xFFFFFE40]  }
0x1a9: {  	v4 =	vmul.f32 v4, v1  }
0x1aa: {  	v7 =	vld [tilespmem:s22+$0xFFFFFE50]  }
0x1ab: {  	v5 =	vmul.f32 v5, v0;
	_ =	sdelay $0x1  }
0x1ac: {  	v4 =	vadd.f32 v5, v4;
	v5 =	vmul.f32 v6, v2;
	_ =	sdelay $0x1  }
0x1ad: {  	v4 =	vadd.f32 v5, v4;
	v5 =	vmul.f32 v7, v3;
	_ =	sdelay $0x1  }
0x1ae: {  	v4 =	vadd.f32 v5, v4;
	_ =	sdelay $0x1  }
0x1af: {  	[tilespmem:s25+$0x14D50] =	vst v4  }
0x1b0: {  	v4 =	vld [tilespmem:s22+$0xFFFFFE60]  }
0x1b1: {  	v5 =	vld [tilespmem:s22+$0xFFFFFE70]  }
0x1b2: {  	v6 =	vld [tilespmem:s22+$0xFFFFFE80]  }
0x1b3: {  	v7 =	vld [tilespmem:s22+$0xFFFFFE90];
	_ =	sdelay $0x1  }
0x1b4: {  	v4 =	vmul.f32 v4, v1  }
0x1b5: {  	v5 =	vmul.f32 v5, v0  }
0x1b6: {  	v6 =	vmul.f32 v6, v2  }
0x1b7: {  	v4 =	vadd.f32 v5, v4;
	_ =	sdelay $0x1  }
0x1b8: {  	v5 =	vmul.f32 v7, v3;
	v4 =	vadd.f32 v6, v4;
	_ =	sdelay $0x1  }
0x1b9: {  	v4 =	vadd.f32 v5, v4;
	_ =	sdelay $0x1  }
0x1ba: {  	[tilespmem:s25+$0x14D60] =	vst v4  }
0x1bb: {  	v4 =	vld [tilespmem:s22+$0xFFFFFEA0]  }
0x1bc: {  	v5 =	vld [tilespmem:s22+$0xFFFFFEB0]  }
0x1bd: {  	v6 =	vld [tilespmem:s22+$0xFFFFFEC0]  }
0x1be: {  	v7 =	vld [tilespmem:s22+$0xFFFFFED0];
	_ =	sdelay $0x1  }
0x1bf: {  	v4 =	vmul.f32 v4, v1  }
0x1c0: {  	v5 =	vmul.f32 v5, v0  }
0x1c1: {  	v6 =	vmul.f32 v6, v2  }
0x1c2: {  	v4 =	vadd.f32 v5, v4;
	_ =	sdelay $0x1  }
0x1c3: {  	v5 =	vmul.f32 v7, v3;
	v4 =	vadd.f32 v6, v4;
	_ =	sdelay $0x1  }
0x1c4: {  	v4 =	vadd.f32 v5, v4;
	_ =	sdelay $0x1  }
0x1c5: {  	[tilespmem:s25+$0x14D70] =	vst v4  }
0x1c6: {  	v4 =	vld [tilespmem:s22+$0xFFFFFEE0]  }
0x1c7: {  	v5 =	vld [tilespmem:s22+$0xFFFFFF00]  }
0x1c8: {  	v6 =	vld [tilespmem:s22+$0xFFFFFEF0]  }
0x1c9: {  	v7 =	vld [tilespmem:s22+$0xFFFFFF10];
	_ =	sdelay $0x1  }
0x1ca: {  	v4 =	vmul.f32 v4, v1  }
0x1cb: {  	v5 =	vmul.f32 v5, v2  }
0x1cc: {  	v6 =	vmul.f32 v6, v0;
	_ =	sdelay $0x1  }
0x1cd: {  	v4 =	vadd.f32 v6, v4;
	_ =	sdelay $0x1  }
0x1ce: {  	v4 =	vadd.f32 v5, v4;
	v5 =	vmul.f32 v7, v3;
	_ =	sdelay $0x1  }
0x1cf: {  	v4 =	vadd.f32 v5, v4;
	_ =	sdelay $0x1  }
0x1d0: {  	[tilespmem:s25+$0x14D80] =	vst v4  }
0x1d1: {  	v4 =	vld [tilespmem:s22+$0xFFFFFF20]  }
0x1d2: {  	v5 =	vld [tilespmem:s22+$0xFFFFFF30]  }
0x1d3: {  	v6 =	vld [tilespmem:s22+$0xFFFFFF40]  }
0x1d4: {  	v7 =	vld [tilespmem:s22+$0xFFFFFF50];
	_ =	sdelay $0x1  }
0x1d5: {  	v4 =	vmul.f32 v4, v1  }
0x1d6: {  	v5 =	vmul.f32 v5, v0;
	_ =	sdelay $0x1  }
0x1d7: {  	v4 =	vadd.f32 v5, v4;
	v5 =	vmul.f32 v6, v2;
	_ =	sdelay $0x1  }
0x1d8: {  	v4 =	vadd.f32 v5, v4;
	v5 =	vmul.f32 v7, v3;
	_ =	sdelay $0x1  }
0x1d9: {  	v4 =	vadd.f32 v5, v4;
	_ =	sdelay $0x1  }
0x1da: {  	[tilespmem:s25+$0x14D90] =	vst v4  }
0x1db: {  	v4 =	vld [tilespmem:s22+$0xFFFFFF60]  }
0x1dc: {  	v5 =	vld [tilespmem:s22+$0xFFFFFF70]  }
0x1dd: {  	v6 =	vld [tilespmem:s22+$0xFFFFFF80]  }
0x1de: {  	v7 =	vld [tilespmem:s22+$0xFFFFFF90];
	_ =	sdelay $0x1  }
0x1df: {  	v4 =	vmul.f32 v4, v1  }
0x1e0: {  	v5 =	vmul.f32 v5, v0  }
0x1e1: {  	v6 =	vmul.f32 v6, v2  }
0x1e2: {  	v4 =	vadd.f32 v5, v4;
	_ =	sdelay $0x1  }
0x1e3: {  	v5 =	vmul.f32 v7, v3;
	v4 =	vadd.f32 v6, v4;
	_ =	sdelay $0x1  }
0x1e4: {  	v4 =	vadd.f32 v5, v4;
	_ =	sdelay $0x1  }
0x1e5: {  	[tilespmem:s25+$0x14DA0] =	vst v4  }
0x1e6: {  	v4 =	vld [tilespmem:s22+$0xFFFFFFA0]  }
0x1e7: {  	v5 =	vld [tilespmem:s22+$0xFFFFFFB0]  }
0x1e8: {  	v6 =	vld [tilespmem:s22+$0xFFFFFFD0]  }
0x1e9: {  	v7 =	vld [tilespmem:s22+$0xFFFFFFC0];
	_ =	sdelay $0x1  }
0x1ea: {  	v4 =	vmul.f32 v4, v1  }
0x1eb: {  	v5 =	vmul.f32 v5, v0;
	_ =	sdelay $0x1  }
0x1ec: {  	v4 =	vadd.f32 v5, v4;
	v5 =	vmul.f32 v7, v2;
	_ =	sdelay $0x1  }
0x1ed: {  	v4 =	vadd.f32 v5, v4;
	v5 =	vmul.f32 v6, v3;
	_ =	sdelay $0x1  }
0x1ee: {  	v4 =	vadd.f32 v5, v4;
	_ =	sdelay $0x1  }
0x1ef: {  	[tilespmem:s25+$0x14DB0] =	vst v4  }
0x1f0: {  	v4 =	vld [tilespmem:s22+$0xFFFFFFE0]  }
0x1f1: {  	v5 =	vld [tilespmem:s22+$0xFFFFFFF0]  }
0x1f2: {  	v6 =	vld [tilespmem:s22+$0x0]  }
0x1f3: {  	v7 =	vld [tilespmem:s22+$0x10];
	_ =	sdelay $0x1  }
0x1f4: {  	v4 =	vmul.f32 v4, v1  }
0x1f5: {  	v5 =	vmul.f32 v5, v0  }
0x1f6: {  	v6 =	vmul.f32 v6, v2  }
0x1f7: {  	v4 =	vadd.f32 v5, v4;
	_ =	sdelay $0x1  }
0x1f8: {  	v5 =	vmul.f32 v7, v3;
	v4 =	vadd.f32 v6, v4;
	_ =	sdelay $0x1  }
0x1f9: {  	v4 =	vadd.f32 v5, v4;
	_ =	sdelay $0x1  }
0x1fa: {  	[tilespmem:s25+$0x14DC0] =	vst v4  }
0x1fb: {  	v4 =	vld [tilespmem:s22+$0x20]  }
0x1fc: {  	v5 =	vld [tilespmem:s22+$0x30]  }
0x1fd: {  	v6 =	vld [tilespmem:s22+$0x40]  }
0x1fe: {  	v7 =	vld [tilespmem:s22+$0x50];
	_ =	sdelay $0x1  }
0x1ff: {  	v4 =	vmul.f32 v4, v1  }
0x200: {  	v5 =	vmul.f32 v5, v0  }
0x201: {  	v6 =	vmul.f32 v6, v2  }
0x202: {  	v4 =	vadd.f32 v5, v4;
	_ =	sdelay $0x1  }
0x203: {  	v5 =	vmul.f32 v7, v3;
	v4 =	vadd.f32 v6, v4;
	_ =	sdelay $0x1  }
0x204: {  	v4 =	vadd.f32 v5, v4;
	_ =	sdelay $0x1  }
0x205: {  	[tilespmem:s25+$0x14DD0] =	vst v4  }
0x206: {  	v4 =	vld [tilespmem:s22+$0x60]  }
0x207: {  	v5 =	vld [tilespmem:s22+$0x70]  }
0x208: {  	v6 =	vld [tilespmem:s22+$0x90]  }
0x209: {  	v7 =	vld [tilespmem:s22+$0x80];
	_ =	sdelay $0x1  }
0x20a: {  	v4 =	vmul.f32 v4, v1  }
0x20b: {  	v5 =	vmul.f32 v5, v0;
	_ =	sdelay $0x1  }
0x20c: {  	v4 =	vadd.f32 v5, v4;
	v5 =	vmul.f32 v7, v2;
	_ =	sdelay $0x1  }
0x20d: {  	v4 =	vadd.f32 v5, v4;
	v5 =	vmul.f32 v6, v3;
	_ =	sdelay $0x1  }
0x20e: {  	v4 =	vadd.f32 v5, v4;
	_ =	sdelay $0x1  }
0x20f: {  	[tilespmem:s25+$0x14DE0] =	vst v4  }
0x210: {  	v4 =	vld [tilespmem:s22+$0xA0]  }
0x211: {  	v5 =	vld [tilespmem:s22+$0xB0]  }
0x212: {  	v6 =	vld [tilespmem:s22+$0xC0]  }
0x213: {  	v7 =	vld [tilespmem:s22+$0xD0];
	_ =	sdelay $0x1  }
0x214: {  	v4 =	vmul.f32 v4, v1  }
0x215: {  	v5 =	vmul.f32 v5, v0  }
0x216: {  	v6 =	vmul.f32 v6, v2  }
0x217: {  	v4 =	vadd.f32 v5, v4;
	_ =	sdelay $0x1  }
0x218: {  	v5 =	vmul.f32 v7, v3;
	v4 =	vadd.f32 v6, v4;
	_ =	sdelay $0x1  }
0x219: {  	v4 =	vadd.f32 v5, v4;
	_ =	sdelay $0x1  }
0x21a: {  	[tilespmem:s25+$0x14DF0] =	vst v4  }
0x21b: {  	v4 =	vld [tilespmem:s22+$0xE0]  }
0x21c: {  	v5 =	vld [tilespmem:s22+$0xF0]  }
0x21d: {  	v6 =	vld [tilespmem:s22+$0x100]  }
0x21e: {  	v7 =	vld [tilespmem:s22+$0x110];
	_ =	sdelay $0x1  }
0x21f: {  	v4 =	vmul.f32 v4, v1  }
0x220: {  	v5 =	vmul.f32 v5, v0  }
0x221: {  	v6 =	vmul.f32 v6, v2  }
0x222: {  	v4 =	vadd.f32 v5, v4;
	_ =	sdelay $0x1  }
0x223: {  	v5 =	vmul.f32 v7, v3;
	v4 =	vadd.f32 v6, v4;
	_ =	sdelay $0x1  }
0x224: {  	v4 =	vadd.f32 v5, v4;
	_ =	sdelay $0x1  }
0x225: {  	[tilespmem:s25+$0x14E00] =	vst v4  }
0x226: {  	v4 =	vld [tilespmem:s22+$0x130]  }
0x227: {  	v5 =	vld [tilespmem:s22+$0x120]  }
0x228: {  	v6 =	vld [tilespmem:s22+$0x140]  }
0x229: {  	v7 =	vld [tilespmem:s22+$0x150];
	_ =	sdelay $0x1  }
0x22a: {  	v4 =	vmul.f32 v4, v0  }
0x22b: {  	v5 =	vmul.f32 v5, v1  }
0x22c: {  	v6 =	vmul.f32 v6, v2  }
0x22d: {  	v4 =	vadd.f32 v4, v5;
	_ =	sdelay $0x1  }
0x22e: {  	v5 =	vmul.f32 v7, v3;
	v4 =	vadd.f32 v6, v4;
	_ =	sdelay $0x1  }
0x22f: {  	v4 =	vadd.f32 v5, v4;
	_ =	sdelay $0x1  }
0x230: {  	[tilespmem:s25+$0x14E10] =	vst v4  }
0x231: {  	v4 =	vld [tilespmem:s22+$0x160]  }
0x232: {  	v5 =	vld [tilespmem:s22+$0x170]  }
0x233: {  	v6 =	vld [tilespmem:s22+$0x180]  }
0x234: {  	v7 =	vld [tilespmem:s22+$0x190];
	_ =	sdelay $0x1  }
0x235: {  	v4 =	vmul.f32 v4, v1  }
0x236: {  	v5 =	vmul.f32 v5, v0  }
0x237: {  	v6 =	vmul.f32 v6, v2  }
0x238: {  	v4 =	vadd.f32 v5, v4;
	_ =	sdelay $0x1  }
0x239: {  	v5 =	vmul.f32 v7, v3;
	v4 =	vadd.f32 v6, v4;
	_ =	sdelay $0x1  }
0x23a: {  	v4 =	vadd.f32 v5, v4;
	_ =	sdelay $0x1  }
0x23b: {  	[tilespmem:s25+$0x14E20] =	vst v4  }
0x23c: {  	v4 =	vld [tilespmem:s22+$0x1A0]  }
0x23d: {  	v5 =	vld [tilespmem:s22+$0x1B0]  }
0x23e: {  	v6 =	vld [tilespmem:s22+$0x1C0]  }
0x23f: {  	v7 =	vld [tilespmem:s22+$0x1D0];
	_ =	sdelay $0x1  }
0x240: {  	v4 =	vmul.f32 v4, v1  }
0x241: {  	v5 =	vmul.f32 v5, v0  }
0x242: {  	v6 =	vmul.f32 v6, v2  }
0x243: {  	v4 =	vadd.f32 v5, v4;
	_ =	sdelay $0x1  }
0x244: {  	v5 =	vmul.f32 v7, v3;
	v4 =	vadd.f32 v6, v4;
	_ =	sdelay $0x1  }
0x245: {  	v4 =	vadd.f32 v5, v4;
	_ =	sdelay $0x1  }
0x246: {  	[tilespmem:s25+$0x14E30] =	vst v4  }
0x247: {  	v4 =	vld [tilespmem:s22+$0x1E0]  }
0x248: {  	v5 =	vld [tilespmem:s22+$0x1F0]  }
0x249: {  	v6 =	vld [tilespmem:s22+$0x200]  }
0x24a: {  	v7 =	vld [tilespmem:s22+$0x210];
	_ =	sdelay $0x1  }
0x24b: {  	v4 =	vmul.f32 v4, v1  }
0x24c: {  	v5 =	vmul.f32 v5, v0  }
0x24d: {  	v6 =	vmul.f32 v6, v2  }
0x24e: {  	v4 =	vadd.f32 v5, v4;
	_ =	sdelay $0x1  }
0x24f: {  	v5 =	vmul.f32 v7, v3;
	v4 =	vadd.f32 v6, v4;
	_ =	sdelay $0x1  }
0x250: {  	v4 =	vadd.f32 v5, v4;
	_ =	sdelay $0x1  }
0x251: {  	[tilespmem:s25+$0x14E40] =	vst v4  }
0x252: {  	v7 =	vld [tilespmem:s22+$0x220]  }
.Ltmp0:
0x253: {  	v6 =	vld [tilespmem:s22+$0x230];
	(pc) =	sbr.rel @p0 .LBB2_3-.Ltmp0, $3  }
0x254: {  	v5 =	vld [tilespmem:s22+$0x240]  }
0x255: {  	v4 =	vld [tilespmem:s22+$0x250];
	_ =	sdelay $0x1  }
0x256: {  	v7 =	vmul.f32 v7, v1  }
0x257: {  	v6 =	vmul.f32 v6, v0;
	_ =	sdelay $0x1  }
0x258: {  	v5 =	vmul.f32 v5, v2;
	v6 =	vadd.f32 v6, v7;
	_ =	sdelay $0x1  }
0x259: {  	v4 =	vmul.f32 v4, v3;
	v5 =	vadd.f32 v5, v6;
	_ =	sdelay $0x1  }
0x25a: {  	v4 =	vadd.f32 v4, v5;
	_ =	sdelay $0x1  }
0x25b: {  	[tilespmem:s25+$0x14E50] =	vst v4  }
0x25c: {  	v4 =	vld [tilespmem:s23+$0x260]  }
0x25d: {  	v58 =	vld [tilespmem:s23+$0x270];
	_ =	sdelay $0x1  }
0x25e: {  	v59 =	vld [tilespmem:s23+$0x280];
	_ =	sdelay $0x1  }
0x25f: {  	v60 =	vld [tilespmem:s23+$0x290]  }
0x260: {  	v1 =	vmul.f32 v4, v1;
	v61 =	vmul.f32 v58, v0;
	_ =	sdelay $0x1  }
0x261: {  	v62 =	vmul.f32 v59, v2;
	v0 =	vadd.f32 v61, v1;
	_ =	sdelay $0x1  }
0x262: {  	v63 =	vmul.f32 v60, v3;
	v0 =	vadd.f32 v62, v0;
	_ =	sdelay $0x1  }
0x263: {  	s20 =	smul.u32 $0x2A, s20;
	s19 =	sadd.s32 $0x1, s19;
	v0 =	vadd.f32 v63, v0  }
0x264: {  	p0 =	sne.s32 s19, $0x10  }
.Ltmp1:
0x265: {  	s20 =	sadd.s32 s7, s20;
	[tilespmem:s25+$0x14E60] =	vst v0;
	(pc) =	sbr.rel @p0 .LBB2_2-.Ltmp1, $4  }
0x266: {  	[hbm4b:s20+s1] =	stream.linear.scatter [tilespmem:s17], [sflag:$0x3], $0x2A00, $0x38;
	[tilespmem:$0x17720] =	vst v63  }
0x267: {  	_ =	swait.ge [sflag:s10], $0x2A00  }
0x268: {  	[sflag:s10] =	ssyncset.done $0x0  }
0x269: {  	[sflag:s10] =	ssyncadd.s32 $0xFFFFD600  }
0x26a: {  	s18 =	sadd.s32 $0x1, s18  }
0x26b: {  	p0 =	sne.s32 s18, s9  }
.Ltmp2:
0x26c: {  	_ = 	snop;
	(pc) =	sbr.rel @p0 .LBB2_1-.Ltmp2, $1  }
0x26d: {  	_ =	sdelay $0x3  }
0x26e: {  	_ =	sfence.sel $0x180000  }
0x26f: {  	[bflag:$0x0] =	sbarrier.arrive $0xFFFF  }
0x270: {  	p0 =	sne.s32 s3, $0x0;
	_ =	strace $0x90000047  }
0x271: {  	s0 =	sadd.s32 @!p0 $0x100000, s0;
	[bflag:$0x2] =	sbarrier.arrive $0xFFFF  }
0x272: {  	[sflag:s0] =	ssyncadd.tile.s32 @!p0 $0x1;
	_ =	shalt  }
.Lfunc_end2:
_tile_overlayer_lowered:
.L_overlay_start_2:
0x273: {  	(tag) =	ssettag $0x2  }
0x274: {  	s0 =	rddreg [dreg:$0x0];
	s2 =	stileid.u32  }
0x275: {  	s1 =	rddreg [dreg:$0x1];
	p0 =	sne.s32 s2, $0x0  }
0x276: {  	s3 =	rddreg [dreg:$0x2];
	[bflag:$0x3] =	sbarrier.arrive $0xFFFF;
	s2 =	simm.s32 @!p0 $0x1C03  }
0x277: {  	[timem:s3], [sflag:s2] =	dma.local @!p0 [hbm:s0], s1  }
0x278: {  	s0 =	simm.s32 @!p0 $0x3  }
0x279: {  	_ =	swait.ge @!p0 [sflag:s0], s1  }
0x27a: {  	s1 =	ssub.s32 @!p0 $0x0, s1;
	[sflag:s0] =	ssyncset.done @!p0 $0x0  }
0x27b: {  	[sflag:s0] =	ssyncadd.s32 @!p0 s1  }
0x27c: {  	[bflag:$0x3] =	sbarrier.arrive $0xFFFF  }
0x27d: {  	_ =	shalt  }

</sc_bundles>
